<compile_context>
chip_gen: v7x
topology: tpu7x:2x2x1
jax: 0.10.2.dev20260603
libtpu: 0.0.44.dev20260713+nightly
codegen_flags: <defaults>
</compile_context>

<pallas_src>
import functools

import numpy as np
import jax
import jax.numpy as jnp
from jax.experimental import pallas as pl
from jax.experimental.pallas import tpu as pltpu
from jax.experimental.pallas import tpu_sc as plsc

_K = 64
_ROWS = 128
_COLS = 32768
_BLK_ROWS = 8
_TILE = 2048
_NT = _COLS // _TILE
_NW = 32
_RPW = _ROWS // _NW
_LANE_BUF = 2048


def _keys_body(scores_ref, tau_ref, g_ref, out_ref):
    tau = tau_ref[0, 0]
    for tj in range(_NT):
        sl = pl.ds(tj * _TILE, _TILE)
        sample = scores_ref[:, sl] / tau + g_ref[:, sl]
        ub = jax.lax.bitcast_convert_type(sample, jnp.uint32)
        skey = ub ^ ((ub >> jnp.uint32(31)) * jnp.uint32(0x7FFFFFFF))
        out_ref[:, sl] = jax.lax.bitcast_convert_type(skey, jnp.int32)


def _sc_body(keys_hbm, out_hbm, row_v, hist1, hist2, candk, candc):
    cid = jax.lax.axis_index("c")
    sid = jax.lax.axis_index("s")
    wid = sid * 2 + cid
    lane = jax.lax.iota(jnp.int32, 16)
    ones = jnp.full((16,), 1, jnp.int32)
    zeros16 = jnp.zeros((16,), jnp.int32)

    def row_step(ri, _carry):
        r = wid * _RPW + ri
        pltpu.sync_copy(keys_hbm.at[r], row_v)

        @plsc.parallel_loop(0, 512, unroll=8)
        def _(j):
            hist1[pl.ds(j * 16, 16)] = zeros16

        @plsc.parallel_loop(0, 2048, unroll=8)
        def _(j):
            k = row_v[pl.ds(j * 16, 16)]
            d = jax.lax.shift_right_arithmetic(k, 23) + 256
            plsc.addupdate_scatter(hist1, [d * 16 + lane], ones)

        def s1_cond(c):
            _d, acc = c
            return acc < _K
        def s1_body(c):
            d, acc = c
            cnt = jnp.sum(hist1[pl.ds(d * 16, 16)])
            return (d - 1, acc + cnt)
        d_end, acc1 = jax.lax.while_loop(
            s1_cond, s1_body, (jnp.int32(511), jnp.int32(0)))
        b1 = d_end + 1
        cnt_b1 = jnp.sum(hist1[pl.ds(b1 * 16, 16)])
        needed1 = _K - (acc1 - cnt_b1)

        @plsc.parallel_loop(0, 64, unroll=8)
        def _(j):
            hist2[pl.ds(j * 16, 16)] = zeros16

        @plsc.parallel_loop(0, 2048, unroll=8)
        def _(j):
            k = row_v[pl.ds(j * 16, 16)]
            d = jax.lax.shift_right_arithmetic(k, 23) + 256
            e = jax.lax.shift_right_logical(k, 17) & 63
            plsc.addupdate_scatter(hist2, [e * 16 + lane], ones, mask=d == b1)

        def s2_cond(c):
            _e, acc = c
            return acc < needed1
        def s2_body(c):
            e, acc = c
            cnt = jnp.sum(hist2[pl.ds(e * 16, 16)])
            return (e - 1, acc + cnt)
        e_end, acc2 = jax.lax.while_loop(
            s2_cond, s2_body, (jnp.int32(63), jnp.int32(0)))
        b2 = e_end + 1
        cnt_b2 = jnp.sum(hist2[pl.ds(b2 * 16, 16)])
        needed2 = needed1 - (acc2 - cnt_b2)
        p15 = b1 * 64 + b2

        def cp(j, pos):
            k = row_v[pl.ds(j * 16, 16)]
            m = (jax.lax.shift_right_arithmetic(k, 17) + 16384) == p15
            idx = lane * _LANE_BUF + pos
            plsc.store_scatter(candk, [idx], k, mask=m)
            plsc.store_scatter(candc, [idx], j * 16 + lane, mask=m)
            return pos + m.astype(jnp.int32)
        lens = plsc.parallel_loop(0, 2048, unroll=8, carry=zeros16)(cp)
        maxlen = jnp.max(lens)

        def cnt_lo_ge(th):
            def ib(j, a):
                idx = lane * _LANE_BUF + j
                ck = plsc.load_gather(candk, [idx])
                ok = ((ck & 0x1FFFF) >= th) & (j < lens)
                return a + ok.astype(jnp.int32)
            return jnp.sum(jax.lax.fori_loop(0, maxlen, ib, zeros16))

        def tb(i, tl):
            cand = tl | (jnp.int32(1) << (16 - i))
            return jnp.where(cnt_lo_ge(cand) >= needed2, cand, tl)
        t_lo = jax.lax.fori_loop(0, 17, tb, jnp.int32(0))
        n_ties = needed2 - cnt_lo_ge(t_lo + 1)
        t_full = ((p15 - 16384) << 17) | t_lo

        def cnt_col_lt(cv):
            def ib(j, a):
                idx = lane * _LANE_BUF + j
                ck = plsc.load_gather(candk, [idx])
                cc = plsc.load_gather(candc, [idx])
                ok = (ck == t_full) & (cc < cv) & (j < lens)
                return a + ok.astype(jnp.int32)
            return jnp.sum(jax.lax.fori_loop(0, maxlen, ib, zeros16))

        def pb(i, pv):
            cand = pv | (jnp.int32(1) << (14 - i))
            return jnp.where(cnt_col_lt(cand) < n_ties, cand, pv)
        p = jax.lax.fori_loop(0, 15, pb, jnp.int32(0))

        @plsc.parallel_loop(0, 2048, unroll=8)
        def _(j):
            k = row_v[pl.ds(j * 16, 16)]
            col = j * 16 + lane
            sel = (k > t_full) | ((k == t_full) & (col <= p))
            candk[pl.ds(j * 16, 16)] = jnp.where(sel, 0x3F800000, 0)
        pltpu.sync_copy(candk, out_hbm.at[r])
        return _carry

    jax.lax.fori_loop(0, _RPW, row_step, 0)


_sc_select = functools.partial(
    pl.kernel,
    out_type=jax.ShapeDtypeStruct((_ROWS, _COLS), jnp.int32),
    mesh=plsc.VectorSubcoreMesh(core_axis_name="c", subcore_axis_name="s"),
    scratch_types=[
        pltpu.VMEM((_COLS,), jnp.int32),
        pltpu.VMEM((512 * 16,), jnp.int32),
        pltpu.VMEM((64 * 16,), jnp.int32),
        pltpu.VMEM((16 * _LANE_BUF,), jnp.int32),
        pltpu.VMEM((16 * _LANE_BUF,), jnp.int32),
    ],
    compiler_params=pltpu.CompilerParams(needs_layout_passes=False),
)(_sc_body)


def kernel(scores, tau):
    _G_CONST = jax.random.gumbel(jax.random.key(42), (_ROWS, _COLS), jnp.float32)
    keys = pl.pallas_call(
        _keys_body,
        grid=(_ROWS // _BLK_ROWS,),
        in_specs=[
            pl.BlockSpec((_BLK_ROWS, _COLS), lambda i: (i, 0)),
            pl.BlockSpec(memory_space=pltpu.SMEM),
            pl.BlockSpec((_BLK_ROWS, _COLS), lambda i: (i, 0)),
        ],
        out_specs=pl.BlockSpec((_BLK_ROWS, _COLS), lambda i: (i, 0)),
        out_shape=jax.ShapeDtypeStruct((_ROWS, _COLS), jnp.int32),
    )(scores, tau.reshape(1, 1), _G_CONST)
    maskbits = _sc_select(keys)
    return jax.lax.bitcast_convert_type(maskbits, jnp.float32)

# --- scband reference (transcript-rebuilt; emitter-appended) ---
"""Pipeline reference for scband-subset-neighborhood-sampler-32598801776713 (READ-ONLY COPY).

The authoritative reference and input builder live on the scoring server;
editing this copy changes nothing except your own understanding.
"""

import jax, jax.numpy as jnp
import numpy as np

K = 64

def setup_inputs(seed: int = 0) -> dict:
    key = jax.random.key(seed)
    k1, k2 = jax.random.split(key)
    scores = jax.random.normal(k1, (128, 32768), dtype=jnp.float32)
    tau = jnp.ones((1,), dtype=jnp.float32)
    return {"scores": scores, "tau": tau}

def reference(scores, tau):
    # eval-mode forward of SubsetNeighborhoodSampler: ll is None, return khot
    phi = scores / tau
    # Gumbel(phi, 1).sample() == phi + Gumbel(0,1) noise
    gkey = jax.random.key(42)
    g = jax.random.gumbel(gkey, phi.shape, dtype=phi.dtype)
    sample = phi + g
    _, ind = jax.lax.top_k(sample, K)
    # khot = zeros; khot.scatter_(-1, ind, 1)
    row = jnp.arange(sample.shape[0])[:, None]
    khot = jnp.zeros_like(sample).at[row, ind].set(1.0)
    return khot

if __name__ == "__main__":
    import jax
    _d = setup_inputs()
    print(jax.jit(kernel)(*tuple(_d.values())))

</pallas_src>

<mosaic_0001>
#map = affine_map<(d0, d1) -> (0, 0)>
module attributes {stable_mosaic.version = 14 : i64} {
  func.func @_sc_body(%arg0: i32, %arg1: i32, %arg2: memref<128x32768xi32, #tpu.memory_space<hbm>>, %arg3: memref<128x32768xi32, #tpu.memory_space<hbm>>, %arg4: memref<32768xi32, #tpu.memory_space<vmem>>, %arg5: memref<8192xi32, #tpu.memory_space<vmem>>, %arg6: memref<1024xi32, #tpu.memory_space<vmem>>, %arg7: memref<32768xi32, #tpu.memory_space<vmem>>, %arg8: memref<32768xi32, #tpu.memory_space<vmem>>) attributes {dimension_semantics = [#tpu.dimension_semantics<core_parallel>, #tpu.dimension_semantics<subcore_parallel>], iteration_bounds = array<i64: 2, 16>, scalar_prefetch = 0 : i64, scratch_operands = 5 : i64, tpu.core_type = #tpu.core_type<sc_vector_subcore>, window_params = [{transform_indices = #map}, {transform_indices = #map}]} {
    %mul3A = arith.constant 2 : i32
    %mul3A_0 = arith.muli %arg1, %mul3A : i32
    %add3A = arith.addi %mul3A_0, %arg0 : i32
    %iota3A = tpu.iota {dimensions = array<i32: 0>} : vector<16xi32>
    %broadcast_in_dim3A = arith.constant 1 : i32
    %broadcast_in_dim3A_1 = vector.broadcast %broadcast_in_dim3A : i32 to vector<16xi32>
    %broadcast_in_dim3A_2 = arith.constant 0 : i32
    %broadcast_in_dim3A_3 = vector.broadcast %broadcast_in_dim3A_2 : i32 to vector<16xi32>
    %scan3A = arith.constant 0 : i32
    %scan3A_4 = arith.constant 0 : i32
    %scan3A_5 = arith.constant 4 : i32
    %scan3A_6 = arith.addi %scan3A_4, %scan3A_5 : i32
    %scan3A_7 = arith.constant 1 : i32
    scf.for %scan3A_9 = %scan3A_4 to %scan3A_6 step %scan3A_7  : i32 {
      %mul3A_10 = arith.constant 4 : i32
      %mul3A_11 = arith.muli %add3A, %mul3A_10 : i32
      %add3A_12 = arith.addi %mul3A_11, %scan3A_9 : i32
      "tpu.region"() ({
        %run_scoped3A = tpu.sem_alloc : memref<!tpu.dma_semaphore, #tpu.memory_space<semaphore_mem>>
        %dma_start3A = arith.constant 0 : i32
        %dma_start3A_103 = tpu.memref_slice %arg2[%add3A_12, %dma_start3A] : memref<128x32768xi32, #tpu.memory_space<hbm>> -> memref<1x32768xi32, #tpu.memory_space<hbm>>
        %dma_start3A_104 = tpu.memref_squeeze %dma_start3A_103 : memref<1x32768xi32, #tpu.memory_space<hbm>> -> memref<32768xi32, #tpu.memory_space<hbm>>
        %dma_start3A_105 = arith.constant 0 : i32
        %dma_start3A_106 = tpu.memref_slice %arg2[%add3A_12, %dma_start3A_105] : memref<128x32768xi32, #tpu.memory_space<hbm>> -> memref<1x32768xi32, #tpu.memory_space<hbm>>
        %dma_start3A_107 = tpu.memref_squeeze %dma_start3A_106 : memref<1x32768xi32, #tpu.memory_space<hbm>> -> memref<32768xi32, #tpu.memory_space<hbm>>
        tpu.enqueue_dma source(%dma_start3A_107 : memref<32768xi32, #tpu.memory_space<hbm>>) target(%arg4 : memref<32768xi32, #tpu.memory_space<vmem>>) target_semaphore(%run_scoped3A : memref<!tpu.dma_semaphore, #tpu.memory_space<semaphore_mem>>)
        %dma_wait3A = arith.constant 0 : i32
        %dma_wait3A_108 = tpu.memref_slice %arg2[%add3A_12, %dma_wait3A] : memref<128x32768xi32, #tpu.memory_space<hbm>> -> memref<1x32768xi32, #tpu.memory_space<hbm>>
        %dma_wait3A_109 = tpu.memref_squeeze %dma_wait3A_108 : memref<1x32768xi32, #tpu.memory_space<hbm>> -> memref<32768xi32, #tpu.memory_space<hbm>>
        %dma_wait3A_110 = arith.constant 0 : i32
        %dma_wait3A_111 = tpu.memref_slice %arg2[%add3A_12, %dma_wait3A_110] : memref<128x32768xi32, #tpu.memory_space<hbm>> -> memref<1x32768xi32, #tpu.memory_space<hbm>>
        %dma_wait3A_112 = tpu.memref_squeeze %dma_wait3A_111 : memref<1x32768xi32, #tpu.memory_space<hbm>> -> memref<32768xi32, #tpu.memory_space<hbm>>
        tpu.wait_dma2 semaphore(%run_scoped3A : memref<!tpu.dma_semaphore, #tpu.memory_space<semaphore_mem>>) src(%dma_wait3A_112 : memref<32768xi32, #tpu.memory_space<hbm>>) dst(%arg4 : memref<32768xi32, #tpu.memory_space<vmem>>)
        tpu.yield
      }) : () -> ()
      %parallel_loop3A = arith.constant 0 : i32
      %parallel_loop3A_13 = arith.constant 512 : i32
      %parallel_loop3A_14 = arith.constant 1 : i32
      scf.for %parallel_loop3A_103 = %parallel_loop3A to %parallel_loop3A_13 step %parallel_loop3A_14  : i32 {
        %parallel_loop3A_104 = arith.constant 16 : i32
        %parallel_loop3A_105 = arith.muli %parallel_loop3A_103, %parallel_loop3A_104 : i32
        %parallel_loop3A_106 = arith.index_cast %parallel_loop3A_105 : i32 to index
        %parallel_loop3A_107 = tpu.vector_load %arg5[%parallel_loop3A_106] {strides = array<i32>} : memref<8192xi32, #tpu.memory_space<vmem>>, vector<16xi32>,
        tpu.vector_store %arg5[%parallel_loop3A_106], %broadcast_in_dim3A_3 {strides = array<i32>} : memref<8192xi32, #tpu.memory_space<vmem>>, vector<16xi32>,
      } {sc.loop_unroll_factor = 8 : i64, sc.parallel_access}
      %parallel_loop3A_15 = arith.constant 0 : i32
      %parallel_loop3A_16 = arith.constant 2048 : i32
      %parallel_loop3A_17 = arith.constant 1 : i32
      scf.for %parallel_loop3A_103 = %parallel_loop3A_15 to %parallel_loop3A_16 step %parallel_loop3A_17  : i32 {
        %parallel_loop3A_104 = arith.constant 16 : i32
        %parallel_loop3A_105 = arith.muli %parallel_loop3A_103, %parallel_loop3A_104 : i32
        %parallel_loop3A_106 = arith.index_cast %parallel_loop3A_105 : i32 to index
        %parallel_loop3A_107 = tpu.vector_load %arg4[%parallel_loop3A_106] {strides = array<i32>} : memref<32768xi32, #tpu.memory_space<vmem>>, vector<16xi32>,
        %parallel_loop3A_108 = arith.constant 23 : i32
        %parallel_loop3A_109 = vector.broadcast %parallel_loop3A_108 : i32 to vector<16xi32>
        %parallel_loop3A_110 = arith.shrsi %parallel_loop3A_107, %parallel_loop3A_109 : vector<16xi32>
        %parallel_loop3A_111 = arith.constant 256 : i32
        %parallel_loop3A_112 = vector.broadcast %parallel_loop3A_111 : i32 to vector<16xi32>
        %parallel_loop3A_113 = arith.addi %parallel_loop3A_110, %parallel_loop3A_112 : vector<16xi32>
        %parallel_loop3A_114 = arith.constant 16 : i32
        %parallel_loop3A_115 = vector.broadcast %parallel_loop3A_114 : i32 to vector<16xi32>
        %parallel_loop3A_116 = arith.muli %parallel_loop3A_113, %parallel_loop3A_115 : vector<16xi32>
        %parallel_loop3A_117 = arith.addi %parallel_loop3A_116, %iota3A : vector<16xi32>
        tpu.vector_store_idx %arg5[%parallel_loop3A_117], %broadcast_in_dim3A_1 {add = true} : memref<8192xi32, #tpu.memory_space<vmem>>[vector<16xi32>], vector<16xi32>,
      } {sc.loop_unroll_factor = 8 : i64, sc.parallel_access}
      %while3A = arith.constant 511 : i32
      %while3A_18 = arith.constant 0 : i32
      %while3A_19:2 = scf.while (%while3A_103 = %while3A, %while3A_104 = %while3A_18) : (i32, i32) -> (i32, i32) {
        %lt3A = arith.constant 64 : i32
        %lt3A_105 = arith.cmpi slt, %while3A_104, %lt3A : i32
        scf.condition(%lt3A_105) %while3A_103, %while3A_104 : i32, i32
      } do {
      ^bb0(%while3A_103: i32, %while3A_104: i32):
        %mul3A_105 = arith.constant 16 : i32
        %mul3A_106 = arith.muli %while3A_103, %mul3A_105 : i32
        %get3A_107 = arith.index_cast %mul3A_106 : i32 to index
        %get3A_108 = tpu.vector_load %arg5[%get3A_107] {strides = array<i32>} : memref<8192xi32, #tpu.memory_space<vmem>>, vector<16xi32>,
        %reduce_sum3A_109 = arith.constant true
        %reduce_sum3A_110 = vector.broadcast %reduce_sum3A_109 : i1 to vector<16xi1>
        %reduce_sum3A_111 = tpu.scan <sum>, %get3A_108 masked %reduce_sum3A_110 : vector<16xi32>, vector<16xi1> -> vector<16xi32>
        %reduce_sum3A_112 = vector.extract %reduce_sum3A_111[15] : i32 from vector<16xi32>
        %sub3A_113 = arith.constant 1 : i32
        %sub3A_114 = arith.subi %while3A_103, %sub3A_113 : i32
        %add3A_115 = arith.addi %while3A_104, %reduce_sum3A_112 : i32
        scf.yield %sub3A_114, %add3A_115 : i32, i32
      }
      %add3A_20 = arith.constant 1 : i32
      %add3A_21 = arith.addi %while3A_19#0, %add3A_20 : i32
      %mul3A_22 = arith.constant 16 : i32
      %mul3A_23 = arith.muli %add3A_21, %mul3A_22 : i32
      %get3A = arith.index_cast %mul3A_23 : i32 to index
      %get3A_24 = tpu.vector_load %arg5[%get3A] {strides = array<i32>} : memref<8192xi32, #tpu.memory_space<vmem>>, vector<16xi32>,
      %reduce_sum3A = arith.constant true
      %reduce_sum3A_25 = vector.broadcast %reduce_sum3A : i1 to vector<16xi1>
      %reduce_sum3A_26 = tpu.scan <sum>, %get3A_24 masked %reduce_sum3A_25 : vector<16xi32>, vector<16xi1> -> vector<16xi32>
      %reduce_sum3A_27 = vector.extract %reduce_sum3A_26[15] : i32 from vector<16xi32>
      %sub3A = arith.subi %while3A_19#1, %reduce_sum3A_27 : i32
      %sub3A_28 = arith.constant 64 : i32
      %sub3A_29 = arith.subi %sub3A_28, %sub3A : i32
      %parallel_loop3A_30 = arith.constant 0 : i32
      %parallel_loop3A_31 = arith.constant 64 : i32
      %parallel_loop3A_32 = arith.constant 1 : i32
      scf.for %parallel_loop3A_103 = %parallel_loop3A_30 to %parallel_loop3A_31 step %parallel_loop3A_32  : i32 {
        %parallel_loop3A_104 = arith.constant 16 : i32
        %parallel_loop3A_105 = arith.muli %parallel_loop3A_103, %parallel_loop3A_104 : i32
        %parallel_loop3A_106 = arith.index_cast %parallel_loop3A_105 : i32 to index
        %parallel_loop3A_107 = tpu.vector_load %arg6[%parallel_loop3A_106] {strides = array<i32>} : memref<1024xi32, #tpu.memory_space<vmem>>, vector<16xi32>,
        tpu.vector_store %arg6[%parallel_loop3A_106], %broadcast_in_dim3A_3 {strides = array<i32>} : memref<1024xi32, #tpu.memory_space<vmem>>, vector<16xi32>,
      } {sc.loop_unroll_factor = 8 : i64, sc.parallel_access}
      %parallel_loop3A_33 = arith.constant 0 : i32
      %parallel_loop3A_34 = arith.constant 2048 : i32
      %parallel_loop3A_35 = arith.constant 1 : i32
      scf.for %parallel_loop3A_103 = %parallel_loop3A_33 to %parallel_loop3A_34 step %parallel_loop3A_35  : i32 {
        %parallel_loop3A_104 = arith.constant 16 : i32
        %parallel_loop3A_105 = arith.muli %parallel_loop3A_103, %parallel_loop3A_104 : i32
        %parallel_loop3A_106 = arith.index_cast %parallel_loop3A_105 : i32 to index
        %parallel_loop3A_107 = tpu.vector_load %arg4[%parallel_loop3A_106] {strides = array<i32>} : memref<32768xi32, #tpu.memory_space<vmem>>, vector<16xi32>,
        %parallel_loop3A_108 = arith.constant 23 : i32
        %parallel_loop3A_109 = vector.broadcast %parallel_loop3A_108 : i32 to vector<16xi32>
        %parallel_loop3A_110 = arith.shrsi %parallel_loop3A_107, %parallel_loop3A_109 : vector<16xi32>
        %parallel_loop3A_111 = arith.constant 256 : i32
        %parallel_loop3A_112 = vector.broadcast %parallel_loop3A_111 : i32 to vector<16xi32>
        %parallel_loop3A_113 = arith.addi %parallel_loop3A_110, %parallel_loop3A_112 : vector<16xi32>
        %parallel_loop3A_114 = arith.constant 17 : i32
        %parallel_loop3A_115 = vector.broadcast %parallel_loop3A_114 : i32 to vector<16xi32>
        %parallel_loop3A_116 = arith.shrui %parallel_loop3A_107, %parallel_loop3A_115 : vector<16xi32>
        %parallel_loop3A_117 = arith.constant 63 : i32
        %parallel_loop3A_118 = vector.broadcast %parallel_loop3A_117 : i32 to vector<16xi32>
        %parallel_loop3A_119 = arith.andi %parallel_loop3A_116, %parallel_loop3A_118 : vector<16xi32>
        %parallel_loop3A_120 = arith.constant 16 : i32
        %parallel_loop3A_121 = vector.broadcast %parallel_loop3A_120 : i32 to vector<16xi32>
        %parallel_loop3A_122 = arith.muli %parallel_loop3A_119, %parallel_loop3A_121 : vector<16xi32>
        %parallel_loop3A_123 = arith.addi %parallel_loop3A_122, %iota3A : vector<16xi32>
        %parallel_loop3A_124 = vector.broadcast %add3A_21 : i32 to vector<16xi32>
        %parallel_loop3A_125 = arith.cmpi eq, %parallel_loop3A_113, %parallel_loop3A_124 : vector<16xi32>
        tpu.vector_store_idx %arg6[%parallel_loop3A_123], %broadcast_in_dim3A_1 masked %parallel_loop3A_125 {add = true} : memref<1024xi32, #tpu.memory_space<vmem>>[vector<16xi32>], vector<16xi32>, vector<16xi1>
      } {sc.loop_unroll_factor = 8 : i64, sc.parallel_access}
      %while3A_36 = arith.constant 63 : i32
      %while3A_37 = arith.constant 0 : i32
      %while3A_38:2 = scf.while (%while3A_103 = %while3A_36, %while3A_104 = %while3A_37) : (i32, i32) -> (i32, i32) {
        %lt3A = arith.cmpi slt, %while3A_104, %sub3A_29 : i32
        scf.condition(%lt3A) %while3A_103, %while3A_104 : i32, i32
      } do {
      ^bb0(%while3A_103: i32, %while3A_104: i32):
        %mul3A_105 = arith.constant 16 : i32
        %mul3A_106 = arith.muli %while3A_103, %mul3A_105 : i32
        %get3A_107 = arith.index_cast %mul3A_106 : i32 to index
        %get3A_108 = tpu.vector_load %arg6[%get3A_107] {strides = array<i32>} : memref<1024xi32, #tpu.memory_space<vmem>>, vector<16xi32>,
        %reduce_sum3A_109 = arith.constant true
        %reduce_sum3A_110 = vector.broadcast %reduce_sum3A_109 : i1 to vector<16xi1>
        %reduce_sum3A_111 = tpu.scan <sum>, %get3A_108 masked %reduce_sum3A_110 : vector<16xi32>, vector<16xi1> -> vector<16xi32>
        %reduce_sum3A_112 = vector.extract %reduce_sum3A_111[15] : i32 from vector<16xi32>
        %sub3A_113 = arith.constant 1 : i32
        %sub3A_114 = arith.subi %while3A_103, %sub3A_113 : i32
        %add3A_115 = arith.addi %while3A_104, %reduce_sum3A_112 : i32
        scf.yield %sub3A_114, %add3A_115 : i32, i32
      }
      %add3A_39 = arith.constant 1 : i32
      %add3A_40 = arith.addi %while3A_38#0, %add3A_39 : i32
      %mul3A_41 = arith.constant 16 : i32
      %mul3A_42 = arith.muli %add3A_40, %mul3A_41 : i32
      %get3A_43 = arith.index_cast %mul3A_42 : i32 to index
      %get3A_44 = tpu.vector_load %arg6[%get3A_43] {strides = array<i32>} : memref<1024xi32, #tpu.memory_space<vmem>>, vector<16xi32>,
      %reduce_sum3A_45 = arith.constant true
      %reduce_sum3A_46 = vector.broadcast %reduce_sum3A_45 : i1 to vector<16xi1>
      %reduce_sum3A_47 = tpu.scan <sum>, %get3A_44 masked %reduce_sum3A_46 : vector<16xi32>, vector<16xi1> -> vector<16xi32>
      %reduce_sum3A_48 = vector.extract %reduce_sum3A_47[15] : i32 from vector<16xi32>
      %sub3A_49 = arith.subi %while3A_38#1, %reduce_sum3A_48 : i32
      %sub3A_50 = arith.subi %sub3A_29, %sub3A_49 : i32
      %mul3A_51 = arith.constant 64 : i32
      %mul3A_52 = arith.muli %add3A_21, %mul3A_51 : i32
      %add3A_53 = arith.addi %mul3A_52, %add3A_40 : i32
      %parallel_loop3A_54 = arith.constant 0 : i32
      %parallel_loop3A_55 = arith.constant 2048 : i32
      %parallel_loop3A_56 = arith.constant 1 : i32
      %parallel_loop3A_57 = scf.for %parallel_loop3A_103 = %parallel_loop3A_54 to %parallel_loop3A_55 step %parallel_loop3A_56 iter_args(%parallel_loop3A_104 = %broadcast_in_dim3A_3) -> (vector<16xi32>)  : i32 {
        %parallel_loop3A_105 = arith.constant 16 : i32
        %parallel_loop3A_106 = arith.muli %parallel_loop3A_103, %parallel_loop3A_105 : i32
        %parallel_loop3A_107 = arith.index_cast %parallel_loop3A_106 : i32 to index
        %parallel_loop3A_108 = tpu.vector_load %arg4[%parallel_loop3A_107] {strides = array<i32>} : memref<32768xi32, #tpu.memory_space<vmem>>, vector<16xi32>,
        %parallel_loop3A_109 = arith.constant 17 : i32
        %parallel_loop3A_110 = vector.broadcast %parallel_loop3A_109 : i32 to vector<16xi32>
        %parallel_loop3A_111 = arith.shrsi %parallel_loop3A_108, %parallel_loop3A_110 : vector<16xi32>
        %parallel_loop3A_112 = arith.constant 16384 : i32
        %parallel_loop3A_113 = vector.broadcast %parallel_loop3A_112 : i32 to vector<16xi32>
        %parallel_loop3A_114 = arith.addi %parallel_loop3A_111, %parallel_loop3A_113 : vector<16xi32>
        %parallel_loop3A_115 = vector.broadcast %add3A_53 : i32 to vector<16xi32>
        %parallel_loop3A_116 = arith.cmpi eq, %parallel_loop3A_114, %parallel_loop3A_115 : vector<16xi32>
        %parallel_loop3A_117 = arith.constant 2048 : i32
        %parallel_loop3A_118 = vector.broadcast %parallel_loop3A_117 : i32 to vector<16xi32>
        %parallel_loop3A_119 = arith.muli %iota3A, %parallel_loop3A_118 : vector<16xi32>
        %parallel_loop3A_120 = arith.addi %parallel_loop3A_119, %parallel_loop3A_104 : vector<16xi32>
        tpu.vector_store_idx %arg7[%parallel_loop3A_120], %parallel_loop3A_108 masked %parallel_loop3A_116 : memref<32768xi32, #tpu.memory_space<vmem>>[vector<16xi32>], vector<16xi32>, vector<16xi1>
        %parallel_loop3A_121 = arith.constant 16 : i32
        %parallel_loop3A_122 = arith.muli %parallel_loop3A_103, %parallel_loop3A_121 : i32
        %parallel_loop3A_123 = vector.broadcast %parallel_loop3A_122 : i32 to vector<16xi32>
        %parallel_loop3A_124 = arith.addi %parallel_loop3A_123, %iota3A : vector<16xi32>
        tpu.vector_store_idx %arg8[%parallel_loop3A_120], %parallel_loop3A_124 masked %parallel_loop3A_116 : memref<32768xi32, #tpu.memory_space<vmem>>[vector<16xi32>], vector<16xi32>, vector<16xi1>
        %parallel_loop3A_125 = arith.extui %parallel_loop3A_116 : vector<16xi1> to vector<16xi32>
        %parallel_loop3A_126 = arith.addi %parallel_loop3A_104, %parallel_loop3A_125 : vector<16xi32>
        scf.yield %parallel_loop3A_126 : vector<16xi32>
      } {sc.loop_unroll_factor = 8 : i64, sc.parallel_access}
      %reduce_max3A = arith.constant true
      %reduce_max3A_58 = vector.broadcast %reduce_max3A : i1 to vector<16xi1>
      %reduce_max3A_59 = arith.constant -2147483648 : i32
      %reduce_max3A_60 = vector.broadcast %reduce_max3A_59 : i32 to vector<16xi32>
      %reduce_max3A_61 = arith.xori %parallel_loop3A_57, %reduce_max3A_60 : vector<16xi32>
      %reduce_max3A_62 = tpu.scan <max>, %reduce_max3A_61 masked %reduce_max3A_58 : vector<16xi32>, vector<16xi1> -> vector<16xi32>
      %reduce_max3A_63 = arith.xori %reduce_max3A_62, %reduce_max3A_60 : vector<16xi32>
      %reduce_max3A_64 = vector.extract %reduce_max3A_63[15] : i32 from vector<16xi32>
      %scan3A_65 = arith.constant 0 : i32
      %scan3A_66 = arith.constant 0 : i32
      %scan3A_67 = arith.constant 17 : i32
      %scan3A_68 = arith.addi %scan3A_66, %scan3A_67 : i32
      %scan3A_69 = arith.constant 1 : i32
      %scan3A_70 = scf.for %scan3A_103 = %scan3A_66 to %scan3A_68 step %scan3A_69 iter_args(%scan3A_104 = %scan3A_65) -> (i32)  : i32 {
        %sub3A_105 = arith.constant 16 : i32
        %sub3A_106 = arith.subi %sub3A_105, %scan3A_103 : i32
        %shift_left3A_107 = arith.constant 1 : i32
        %shift_left3A_108 = arith.shli %shift_left3A_107, %sub3A_106 : i32
        %or3A_109 = arith.ori %scan3A_104, %shift_left3A_108 : i32
        %while3A_110 = arith.constant 0 : i32
        %while3A_111 = arith.subi %reduce_max3A_64, %while3A_110 : i32
        %while3A_112 = arith.addi %while3A_110, %while3A_111 : i32
        %while3A_113 = arith.constant 1 : i32
        %while3A_114 = arith.divsi %while3A_111, %while3A_113 : i32
        %while3A_115 = arith.muli %while3A_114, %while3A_113 : i32
        %while3A_116 = arith.addi %while3A_110, %while3A_115 : i32
        %while3A_117 = arith.constant 1 : i32
        %while3A_118 = scf.for %while3A_125 = %while3A_110 to %while3A_116 step %while3A_117 iter_args(%while3A_126 = %broadcast_in_dim3A_3) -> (vector<16xi32>)  : i32 {
          %mul3A_127 = arith.constant 2048 : i32
          %mul3A_128 = vector.broadcast %mul3A_127 : i32 to vector<16xi32>
          %mul3A_129 = arith.muli %iota3A, %mul3A_128 : vector<16xi32>
          %add3A_130 = vector.broadcast %while3A_125 : i32 to vector<16xi32>
          %add3A_131 = arith.addi %mul3A_129, %add3A_130 : vector<16xi32>
          %gather3A = tpu.vector_load_idx %arg7[%add3A_131] : memref<32768xi32, #tpu.memory_space<vmem>>[vector<16xi32>], vector<16xi32>,
          %and3A = arith.constant 131071 : i32
          %and3A_132 = vector.broadcast %and3A : i32 to vector<16xi32>
          %and3A_133 = arith.andi %gather3A, %and3A_132 : vector<16xi32>
          %ge3A_134 = vector.broadcast %or3A_109 : i32 to vector<16xi32>
          %ge3A_135 = arith.cmpi sge, %and3A_133, %ge3A_134 : vector<16xi32>
          %lt3A = vector.broadcast %while3A_125 : i32 to vector<16xi32>
          %lt3A_136 = arith.cmpi slt, %lt3A, %parallel_loop3A_57 : vector<16xi32>
          %and3A_137 = arith.andi %ge3A_135, %lt3A_136 : vector<16xi1>
          %convert_element_type3A = arith.extui %and3A_137 : vector<16xi1> to vector<16xi32>
          %add3A_138 = arith.addi %while3A_126, %convert_element_type3A : vector<16xi32>
          scf.yield %add3A_138 : vector<16xi32>
        }
        %while3A_119 = arith.constant 1 : i32
        %while3A_120 = scf.for %while3A_125 = %while3A_116 to %while3A_112 step %while3A_119 iter_args(%while3A_126 = %while3A_118) -> (vector<16xi32>)  : i32 {
          %mul3A_127 = arith.constant 2048 : i32
          %mul3A_128 = vector.broadcast %mul3A_127 : i32 to vector<16xi32>
          %mul3A_129 = arith.muli %iota3A, %mul3A_128 : vector<16xi32>
          %add3A_130 = vector.broadcast %while3A_125 : i32 to vector<16xi32>
          %add3A_131 = arith.addi %mul3A_129, %add3A_130 : vector<16xi32>
          %gather3A = tpu.vector_load_idx %arg7[%add3A_131] : memref<32768xi32, #tpu.memory_space<vmem>>[vector<16xi32>], vector<16xi32>,
          %and3A = arith.constant 131071 : i32
          %and3A_132 = vector.broadcast %and3A : i32 to vector<16xi32>
          %and3A_133 = arith.andi %gather3A, %and3A_132 : vector<16xi32>
          %ge3A_134 = vector.broadcast %or3A_109 : i32 to vector<16xi32>
          %ge3A_135 = arith.cmpi sge, %and3A_133, %ge3A_134 : vector<16xi32>
          %lt3A = vector.broadcast %while3A_125 : i32 to vector<16xi32>
          %lt3A_136 = arith.cmpi slt, %lt3A, %parallel_loop3A_57 : vector<16xi32>
          %and3A_137 = arith.andi %ge3A_135, %lt3A_136 : vector<16xi1>
          %convert_element_type3A = arith.extui %and3A_137 : vector<16xi1> to vector<16xi32>
          %add3A_138 = arith.addi %while3A_126, %convert_element_type3A : vector<16xi32>
          scf.yield %add3A_138 : vector<16xi32>
        }
        %reduce_sum3A_121 = arith.constant true
        %reduce_sum3A_122 = vector.broadcast %reduce_sum3A_121 : i1 to vector<16xi1>
        %reduce_sum3A_123 = tpu.scan <sum>, %while3A_120 masked %reduce_sum3A_122 : vector<16xi32>, vector<16xi1> -> vector<16xi32>
        %reduce_sum3A_124 = vector.extract %reduce_sum3A_123[15] : i32 from vector<16xi32>
        %ge3A = arith.cmpi sge, %reduce_sum3A_124, %sub3A_50 : i32
        %select_n3A = arith.select %ge3A, %or3A_109, %scan3A_104 : i32
        scf.yield %select_n3A : i32
      }
      %scan3A_71 = arith.constant 17 : i32
      %add3A_72 = arith.constant 1 : i32
      %add3A_73 = arith.addi %scan3A_70, %add3A_72 : i32
      %while3A_74 = arith.constant 0 : i32
      %while3A_75 = arith.subi %reduce_max3A_64, %while3A_74 : i32
      %while3A_76 = arith.addi %while3A_74, %while3A_75 : i32
      %while3A_77 = arith.constant 1 : i32
      %while3A_78 = arith.divsi %while3A_75, %while3A_77 : i32
      %while3A_79 = arith.muli %while3A_78, %while3A_77 : i32
      %while3A_80 = arith.addi %while3A_74, %while3A_79 : i32
      %while3A_81 = arith.constant 1 : i32
      %while3A_82 = scf.for %while3A_103 = %while3A_74 to %while3A_80 step %while3A_81 iter_args(%while3A_104 = %broadcast_in_dim3A_3) -> (vector<16xi32>)  : i32 {
        %mul3A_105 = arith.constant 2048 : i32
        %mul3A_106 = vector.broadcast %mul3A_105 : i32 to vector<16xi32>
        %mul3A_107 = arith.muli %iota3A, %mul3A_106 : vector<16xi32>
        %add3A_108 = vector.broadcast %while3A_103 : i32 to vector<16xi32>
        %add3A_109 = arith.addi %mul3A_107, %add3A_108 : vector<16xi32>
        %gather3A = tpu.vector_load_idx %arg7[%add3A_109] : memref<32768xi32, #tpu.memory_space<vmem>>[vector<16xi32>], vector<16xi32>,
        %and3A = arith.constant 131071 : i32
        %and3A_110 = vector.broadcast %and3A : i32 to vector<16xi32>
        %and3A_111 = arith.andi %gather3A, %and3A_110 : vector<16xi32>
        %ge3A = vector.broadcast %add3A_73 : i32 to vector<16xi32>
        %ge3A_112 = arith.cmpi sge, %and3A_111, %ge3A : vector<16xi32>
        %lt3A = vector.broadcast %while3A_103 : i32 to vector<16xi32>
        %lt3A_113 = arith.cmpi slt, %lt3A, %parallel_loop3A_57 : vector<16xi32>
        %and3A_114 = arith.andi %ge3A_112, %lt3A_113 : vector<16xi1>
        %convert_element_type3A = arith.extui %and3A_114 : vector<16xi1> to vector<16xi32>
        %add3A_115 = arith.addi %while3A_104, %convert_element_type3A : vector<16xi32>
        scf.yield %add3A_115 : vector<16xi32>
      }
      %while3A_83 = arith.constant 1 : i32
      %while3A_84 = scf.for %while3A_103 = %while3A_80 to %while3A_76 step %while3A_83 iter_args(%while3A_104 = %while3A_82) -> (vector<16xi32>)  : i32 {
        %mul3A_105 = arith.constant 2048 : i32
        %mul3A_106 = vector.broadcast %mul3A_105 : i32 to vector<16xi32>
        %mul3A_107 = arith.muli %iota3A, %mul3A_106 : vector<16xi32>
        %add3A_108 = vector.broadcast %while3A_103 : i32 to vector<16xi32>
        %add3A_109 = arith.addi %mul3A_107, %add3A_108 : vector<16xi32>
        %gather3A = tpu.vector_load_idx %arg7[%add3A_109] : memref<32768xi32, #tpu.memory_space<vmem>>[vector<16xi32>], vector<16xi32>,
        %and3A = arith.constant 131071 : i32
        %and3A_110 = vector.broadcast %and3A : i32 to vector<16xi32>
        %and3A_111 = arith.andi %gather3A, %and3A_110 : vector<16xi32>
        %ge3A = vector.broadcast %add3A_73 : i32 to vector<16xi32>
        %ge3A_112 = arith.cmpi sge, %and3A_111, %ge3A : vector<16xi32>
        %lt3A = vector.broadcast %while3A_103 : i32 to vector<16xi32>
        %lt3A_113 = arith.cmpi slt, %lt3A, %parallel_loop3A_57 : vector<16xi32>
        %and3A_114 = arith.andi %ge3A_112, %lt3A_113 : vector<16xi1>
        %convert_element_type3A = arith.extui %and3A_114 : vector<16xi1> to vector<16xi32>
        %add3A_115 = arith.addi %while3A_104, %convert_element_type3A : vector<16xi32>
        scf.yield %add3A_115 : vector<16xi32>
      }
      %reduce_sum3A_85 = arith.constant true
      %reduce_sum3A_86 = vector.broadcast %reduce_sum3A_85 : i1 to vector<16xi1>
      %reduce_sum3A_87 = tpu.scan <sum>, %while3A_84 masked %reduce_sum3A_86 : vector<16xi32>, vector<16xi1> -> vector<16xi32>
      %reduce_sum3A_88 = vector.extract %reduce_sum3A_87[15] : i32 from vector<16xi32>
      %sub3A_89 = arith.subi %sub3A_50, %reduce_sum3A_88 : i32
      %sub3A_90 = arith.constant 16384 : i32
      %sub3A_91 = arith.subi %add3A_53, %sub3A_90 : i32
      %shift_left3A = arith.constant 17 : i32
      %shift_left3A_92 = arith.shli %sub3A_91, %shift_left3A : i32
      %or3A = arith.ori %shift_left3A_92, %scan3A_70 : i32
      %scan3A_93 = arith.constant 0 : i32
      %scan3A_94 = arith.constant 0 : i32
      %scan3A_95 = arith.constant 15 : i32
      %scan3A_96 = arith.addi %scan3A_94, %scan3A_95 : i32
      %scan3A_97 = arith.constant 1 : i32
      %scan3A_98 = scf.for %scan3A_103 = %scan3A_94 to %scan3A_96 step %scan3A_97 iter_args(%scan3A_104 = %scan3A_93) -> (i32)  : i32 {
        %sub3A_105 = arith.constant 14 : i32
        %sub3A_106 = arith.subi %sub3A_105, %scan3A_103 : i32
        %shift_left3A_107 = arith.constant 1 : i32
        %shift_left3A_108 = arith.shli %shift_left3A_107, %sub3A_106 : i32
        %or3A_109 = arith.ori %scan3A_104, %shift_left3A_108 : i32
        %while3A_110 = arith.constant 0 : i32
        %while3A_111 = arith.subi %reduce_max3A_64, %while3A_110 : i32
        %while3A_112 = arith.addi %while3A_110, %while3A_111 : i32
        %while3A_113 = arith.constant 1 : i32
        %while3A_114 = arith.divsi %while3A_111, %while3A_113 : i32
        %while3A_115 = arith.muli %while3A_114, %while3A_113 : i32
        %while3A_116 = arith.addi %while3A_110, %while3A_115 : i32
        %while3A_117 = arith.constant 1 : i32
        %while3A_118 = scf.for %while3A_125 = %while3A_110 to %while3A_116 step %while3A_117 iter_args(%while3A_126 = %broadcast_in_dim3A_3) -> (vector<16xi32>)  : i32 {
          %mul3A_127 = arith.constant 2048 : i32
          %mul3A_128 = vector.broadcast %mul3A_127 : i32 to vector<16xi32>
          %mul3A_129 = arith.muli %iota3A, %mul3A_128 : vector<16xi32>
          %add3A_130 = vector.broadcast %while3A_125 : i32 to vector<16xi32>
          %add3A_131 = arith.addi %mul3A_129, %add3A_130 : vector<16xi32>
          %gather3A = tpu.vector_load_idx %arg7[%add3A_131] : memref<32768xi32, #tpu.memory_space<vmem>>[vector<16xi32>], vector<16xi32>,
          %gather3A_132 = tpu.vector_load_idx %arg8[%add3A_131] : memref<32768xi32, #tpu.memory_space<vmem>>[vector<16xi32>], vector<16xi32>,
          %eq3A = vector.broadcast %or3A : i32 to vector<16xi32>
          %eq3A_133 = arith.cmpi eq, %gather3A, %eq3A : vector<16xi32>
          %lt3A_134 = vector.broadcast %or3A_109 : i32 to vector<16xi32>
          %lt3A_135 = arith.cmpi slt, %gather3A_132, %lt3A_134 : vector<16xi32>
          %and3A = arith.andi %eq3A_133, %lt3A_135 : vector<16xi1>
          %lt3A_136 = vector.broadcast %while3A_125 : i32 to vector<16xi32>
          %lt3A_137 = arith.cmpi slt, %lt3A_136, %parallel_loop3A_57 : vector<16xi32>
          %and3A_138 = arith.andi %and3A, %lt3A_137 : vector<16xi1>
          %convert_element_type3A = arith.extui %and3A_138 : vector<16xi1> to vector<16xi32>
          %add3A_139 = arith.addi %while3A_126, %convert_element_type3A : vector<16xi32>
          scf.yield %add3A_139 : vector<16xi32>
        }
        %while3A_119 = arith.constant 1 : i32
        %while3A_120 = scf.for %while3A_125 = %while3A_116 to %while3A_112 step %while3A_119 iter_args(%while3A_126 = %while3A_118) -> (vector<16xi32>)  : i32 {
          %mul3A_127 = arith.constant 2048 : i32
          %mul3A_128 = vector.broadcast %mul3A_127 : i32 to vector<16xi32>
          %mul3A_129 = arith.muli %iota3A, %mul3A_128 : vector<16xi32>
          %add3A_130 = vector.broadcast %while3A_125 : i32 to vector<16xi32>
          %add3A_131 = arith.addi %mul3A_129, %add3A_130 : vector<16xi32>
          %gather3A = tpu.vector_load_idx %arg7[%add3A_131] : memref<32768xi32, #tpu.memory_space<vmem>>[vector<16xi32>], vector<16xi32>,
          %gather3A_132 = tpu.vector_load_idx %arg8[%add3A_131] : memref<32768xi32, #tpu.memory_space<vmem>>[vector<16xi32>], vector<16xi32>,
          %eq3A = vector.broadcast %or3A : i32 to vector<16xi32>
          %eq3A_133 = arith.cmpi eq, %gather3A, %eq3A : vector<16xi32>
          %lt3A_134 = vector.broadcast %or3A_109 : i32 to vector<16xi32>
          %lt3A_135 = arith.cmpi slt, %gather3A_132, %lt3A_134 : vector<16xi32>
          %and3A = arith.andi %eq3A_133, %lt3A_135 : vector<16xi1>
          %lt3A_136 = vector.broadcast %while3A_125 : i32 to vector<16xi32>
          %lt3A_137 = arith.cmpi slt, %lt3A_136, %parallel_loop3A_57 : vector<16xi32>
          %and3A_138 = arith.andi %and3A, %lt3A_137 : vector<16xi1>
          %convert_element_type3A = arith.extui %and3A_138 : vector<16xi1> to vector<16xi32>
          %add3A_139 = arith.addi %while3A_126, %convert_element_type3A : vector<16xi32>
          scf.yield %add3A_139 : vector<16xi32>
        }
        %reduce_sum3A_121 = arith.constant true
        %reduce_sum3A_122 = vector.broadcast %reduce_sum3A_121 : i1 to vector<16xi1>
        %reduce_sum3A_123 = tpu.scan <sum>, %while3A_120 masked %reduce_sum3A_122 : vector<16xi32>, vector<16xi1> -> vector<16xi32>
        %reduce_sum3A_124 = vector.extract %reduce_sum3A_123[15] : i32 from vector<16xi32>
        %lt3A = arith.cmpi slt, %reduce_sum3A_124, %sub3A_89 : i32
        %select_n3A = arith.select %lt3A, %or3A_109, %scan3A_104 : i32
        scf.yield %select_n3A : i32
      }
      %scan3A_99 = arith.constant 15 : i32
      %parallel_loop3A_100 = arith.constant 0 : i32
      %parallel_loop3A_101 = arith.constant 2048 : i32
      %parallel_loop3A_102 = arith.constant 1 : i32
      scf.for %parallel_loop3A_103 = %parallel_loop3A_100 to %parallel_loop3A_101 step %parallel_loop3A_102  : i32 {
        %parallel_loop3A_104 = arith.constant 16 : i32
        %parallel_loop3A_105 = arith.muli %parallel_loop3A_103, %parallel_loop3A_104 : i32
        %parallel_loop3A_106 = arith.index_cast %parallel_loop3A_105 : i32 to index
        %parallel_loop3A_107 = tpu.vector_load %arg4[%parallel_loop3A_106] {strides = array<i32>} : memref<32768xi32, #tpu.memory_space<vmem>>, vector<16xi32>,
        %parallel_loop3A_108 = arith.constant 16 : i32
        %parallel_loop3A_109 = arith.muli %parallel_loop3A_103, %parallel_loop3A_108 : i32
        %parallel_loop3A_110 = vector.broadcast %parallel_loop3A_109 : i32 to vector<16xi32>
        %parallel_loop3A_111 = arith.addi %parallel_loop3A_110, %iota3A : vector<16xi32>
        %parallel_loop3A_112 = vector.broadcast %or3A : i32 to vector<16xi32>
        %parallel_loop3A_113 = arith.cmpi sgt, %parallel_loop3A_107, %parallel_loop3A_112 : vector<16xi32>
        %parallel_loop3A_114 = vector.broadcast %or3A : i32 to vector<16xi32>
        %parallel_loop3A_115 = arith.cmpi eq, %parallel_loop3A_107, %parallel_loop3A_114 : vector<16xi32>
        %parallel_loop3A_116 = vector.broadcast %scan3A_98 : i32 to vector<16xi32>
        %parallel_loop3A_117 = arith.cmpi sle, %parallel_loop3A_111, %parallel_loop3A_116 : vector<16xi32>
        %parallel_loop3A_118 = arith.andi %parallel_loop3A_115, %parallel_loop3A_117 : vector<16xi1>
        %parallel_loop3A_119 = arith.ori %parallel_loop3A_113, %parallel_loop3A_118 : vector<16xi1>
        %parallel_loop3A_120 = arith.constant 1065353216 : i32
        %parallel_loop3A_121 = arith.constant 0 : i32
        %parallel_loop3A_122 = vector.broadcast %parallel_loop3A_120 : i32 to vector<16xi32>
        %parallel_loop3A_123 = vector.broadcast %parallel_loop3A_121 : i32 to vector<16xi32>
        %parallel_loop3A_124 = arith.select %parallel_loop3A_119, %parallel_loop3A_122, %parallel_loop3A_123 : vector<16xi1>, vector<16xi32>
        %parallel_loop3A_125 = arith.constant 16 : i32
        %parallel_loop3A_126 = arith.muli %parallel_loop3A_103, %parallel_loop3A_125 : i32
        %parallel_loop3A_127 = arith.index_cast %parallel_loop3A_126 : i32 to index
        %parallel_loop3A_128 = tpu.vector_load %arg7[%parallel_loop3A_127] {strides = array<i32>} : memref<32768xi32, #tpu.memory_space<vmem>>, vector<16xi32>,
        tpu.vector_store %arg7[%parallel_loop3A_127], %parallel_loop3A_124 {strides = array<i32>} : memref<32768xi32, #tpu.memory_space<vmem>>, vector<16xi32>,
      } {sc.loop_unroll_factor = 8 : i64, sc.parallel_access}
      "tpu.region"() ({
        %run_scoped3A = tpu.sem_alloc : memref<!tpu.dma_semaphore, #tpu.memory_space<semaphore_mem>>
        %dma_start3A = arith.constant 0 : i32
        %dma_start3A_103 = tpu.memref_slice %arg3[%add3A_12, %dma_start3A] : memref<128x32768xi32, #tpu.memory_space<hbm>> -> memref<1x32768xi32, #tpu.memory_space<hbm>>
        %dma_start3A_104 = tpu.memref_squeeze %dma_start3A_103 : memref<1x32768xi32, #tpu.memory_space<hbm>> -> memref<32768xi32, #tpu.memory_space<hbm>>
        %dma_start3A_105 = arith.constant 0 : i32
        %dma_start3A_106 = tpu.memref_slice %arg3[%add3A_12, %dma_start3A_105] : memref<128x32768xi32, #tpu.memory_space<hbm>> -> memref<1x32768xi32, #tpu.memory_space<hbm>>
        %dma_start3A_107 = tpu.memref_squeeze %dma_start3A_106 : memref<1x32768xi32, #tpu.memory_space<hbm>> -> memref<32768xi32, #tpu.memory_space<hbm>>
        tpu.enqueue_dma source(%arg7 : memref<32768xi32, #tpu.memory_space<vmem>>) target(%dma_start3A_107 : memref<32768xi32, #tpu.memory_space<hbm>>) target_semaphore(%run_scoped3A : memref<!tpu.dma_semaphore, #tpu.memory_space<semaphore_mem>>)
        %dma_wait3A = arith.constant 0 : i32
        %dma_wait3A_108 = tpu.memref_slice %arg3[%add3A_12, %dma_wait3A] : memref<128x32768xi32, #tpu.memory_space<hbm>> -> memref<1x32768xi32, #tpu.memory_space<hbm>>
        %dma_wait3A_109 = tpu.memref_squeeze %dma_wait3A_108 : memref<1x32768xi32, #tpu.memory_space<hbm>> -> memref<32768xi32, #tpu.memory_space<hbm>>
        %dma_wait3A_110 = arith.constant 0 : i32
        %dma_wait3A_111 = tpu.memref_slice %arg3[%add3A_12, %dma_wait3A_110] : memref<128x32768xi32, #tpu.memory_space<hbm>> -> memref<1x32768xi32, #tpu.memory_space<hbm>>
        %dma_wait3A_112 = tpu.memref_squeeze %dma_wait3A_111 : memref<1x32768xi32, #tpu.memory_space<hbm>> -> memref<32768xi32, #tpu.memory_space<hbm>>
        tpu.wait_dma2 semaphore(%run_scoped3A : memref<!tpu.dma_semaphore, #tpu.memory_space<semaphore_mem>>) src(%arg7 : memref<32768xi32, #tpu.memory_space<vmem>>) dst(%dma_wait3A_112 : memref<32768xi32, #tpu.memory_space<hbm>>)
        tpu.yield
      }) : () -> ()
    }
    %scan3A_8 = arith.constant 4 : i32
    return
  }
}

module attributes {stable_mosaic.version = 14 : i64} {
  func.func @_keys_body(%arg0: i32, %arg1: memref<8x32768xf32, #tpu.memory_space<vmem>>, %arg2: memref<1x1xf32, #tpu.memory_space<smem>>, %arg3: memref<8x32768xf32, #tpu.memory_space<vmem>>, %arg4: memref<8x32768xi32, #tpu.memory_space<vmem>>) attributes {dimension_semantics = [#tpu.dimension_semantics<arbitrary>], iteration_bounds = array<i64: 16>, scalar_prefetch = 0 : i64, scratch_operands = 0 : i64, tpu.core_type = #tpu.core_type<tc>, window_params = [{transform_indices = @transform_0, window_bounds = array<i64: 8, 32768>}, {transform_indices = @transform_1, window_bounds = array<i64: 1, 1>}, {transform_indices = @transform_2, window_bounds = array<i64: 8, 32768>}, {transform_indices = @transform_3, window_bounds = array<i64: 8, 32768>}]} {
    %get3A = arith.constant 0 : index
    %get3A_0 = arith.constant 0 : index
    %get3A_1 = memref.load %arg2[%get3A, %get3A_0] : memref<1x1xf32, #tpu.memory_space<smem>>
    %get3A_2 = arith.constant 0 : index
    %get3A_3 = arith.constant 0 : index
    %get3A_4 = vector.load %arg1[%get3A_2, %get3A_3] : memref<8x32768xf32, #tpu.memory_space<vmem>>, vector<8x2048xf32>
    %div3A = vector.broadcast %get3A_1 : f32 to vector<8x2048xf32>
    %div3A_5 = arith.divf %get3A_4, %div3A : vector<8x2048xf32>
    %get3A_6 = arith.constant 0 : index
    %get3A_7 = arith.constant 0 : index
    %get3A_8 = vector.load %arg3[%get3A_6, %get3A_7] : memref<8x32768xf32, #tpu.memory_space<vmem>>, vector<8x2048xf32>
    %add3A = arith.addf %div3A_5, %get3A_8 : vector<8x2048xf32>
    %bitcast_convert_type3A = tpu.bitcast %add3A : vector<8x2048xf32> -> vector<8x2048xi32>
    %shift_right_logical3A = arith.constant 31 : i32
    %shift_right_logical3A_9 = vector.broadcast %shift_right_logical3A : i32 to vector<8x2048xi32>
    %shift_right_logical3A_10 = arith.shrui %bitcast_convert_type3A, %shift_right_logical3A_9 : vector<8x2048xi32>
    %mul3A = arith.constant 2147483647 : i32
    %mul3A_11 = vector.broadcast %mul3A : i32 to vector<8x2048xi32>
    %mul3A_12 = arith.muli %shift_right_logical3A_10, %mul3A_11 : vector<8x2048xi32>
    %xor3A = arith.xori %bitcast_convert_type3A, %mul3A_12 : vector<8x2048xi32>
    %bitcast_convert_type3A_13 = tpu.bitcast %xor3A : vector<8x2048xi32> -> vector<8x2048xi32>
    %swap3A = arith.constant 0 : index
    %swap3A_14 = arith.constant 0 : index
    %swap3A_15 = vector.load %arg4[%swap3A, %swap3A_14] : memref<8x32768xi32, #tpu.memory_space<vmem>>, vector<8x2048xi32>
    tpu.vector_store %arg4[%swap3A, %swap3A_14], %bitcast_convert_type3A_13 {strides = array<i32>} : memref<8x32768xi32, #tpu.memory_space<vmem>>, vector<8x2048xi32>,
    %get3A_16 = arith.constant 0 : index
    %get3A_17 = arith.constant 2048 : index
    %get3A_18 = vector.load %arg1[%get3A_16, %get3A_17] : memref<8x32768xf32, #tpu.memory_space<vmem>>, vector<8x2048xf32>
    %div3A_19 = vector.broadcast %get3A_1 : f32 to vector<8x2048xf32>
    %div3A_20 = arith.divf %get3A_18, %div3A_19 : vector<8x2048xf32>
    %get3A_21 = arith.constant 0 : index
    %get3A_22 = arith.constant 2048 : index
    %get3A_23 = vector.load %arg3[%get3A_21, %get3A_22] : memref<8x32768xf32, #tpu.memory_space<vmem>>, vector<8x2048xf32>
    %add3A_24 = arith.addf %div3A_20, %get3A_23 : vector<8x2048xf32>
    %bitcast_convert_type3A_25 = tpu.bitcast %add3A_24 : vector<8x2048xf32> -> vector<8x2048xi32>
    %shift_right_logical3A_26 = arith.constant 31 : i32
    %shift_right_logical3A_27 = vector.broadcast %shift_right_logical3A_26 : i32 to vector<8x2048xi32>
    %shift_right_logical3A_28 = arith.shrui %bitcast_convert_type3A_25, %shift_right_logical3A_27 : vector<8x2048xi32>
    %mul3A_29 = arith.constant 2147483647 : i32
    %mul3A_30 = vector.broadcast %mul3A_29 : i32 to vector<8x2048xi32>
    %mul3A_31 = arith.muli %shift_right_logical3A_28, %mul3A_30 : vector<8x2048xi32>
    %xor3A_32 = arith.xori %bitcast_convert_type3A_25, %mul3A_31 : vector<8x2048xi32>
    %bitcast_convert_type3A_33 = tpu.bitcast %xor3A_32 : vector<8x2048xi32> -> vector<8x2048xi32>
    %swap3A_34 = arith.constant 0 : index
    %swap3A_35 = arith.constant 2048 : index
    %swap3A_36 = vector.load %arg4[%swap3A_34, %swap3A_35] : memref<8x32768xi32, #tpu.memory_space<vmem>>, vector<8x2048xi32>
    tpu.vector_store %arg4[%swap3A_34, %swap3A_35], %bitcast_convert_type3A_33 {strides = array<i32>} : memref<8x32768xi32, #tpu.memory_space<vmem>>, vector<8x2048xi32>,
    %get3A_37 = arith.constant 0 : index
    %get3A_38 = arith.constant 4096 : index
    %get3A_39 = vector.load %arg1[%get3A_37, %get3A_38] : memref<8x32768xf32, #tpu.memory_space<vmem>>, vector<8x2048xf32>
    %div3A_40 = vector.broadcast %get3A_1 : f32 to vector<8x2048xf32>
    %div3A_41 = arith.divf %get3A_39, %div3A_40 : vector<8x2048xf32>
    %get3A_42 = arith.constant 0 : index
    %get3A_43 = arith.constant 4096 : index
    %get3A_44 = vector.load %arg3[%get3A_42, %get3A_43] : memref<8x32768xf32, #tpu.memory_space<vmem>>, vector<8x2048xf32>
    %add3A_45 = arith.addf %div3A_41, %get3A_44 : vector<8x2048xf32>
    %bitcast_convert_type3A_46 = tpu.bitcast %add3A_45 : vector<8x2048xf32> -> vector<8x2048xi32>
    %shift_right_logical3A_47 = arith.constant 31 : i32
    %shift_right_logical3A_48 = vector.broadcast %shift_right_logical3A_47 : i32 to vector<8x2048xi32>
    %shift_right_logical3A_49 = arith.shrui %bitcast_convert_type3A_46, %shift_right_logical3A_48 : vector<8x2048xi32>
    %mul3A_50 = arith.constant 2147483647 : i32
    %mul3A_51 = vector.broadcast %mul3A_50 : i32 to vector<8x2048xi32>
    %mul3A_52 = arith.muli %shift_right_logical3A_49, %mul3A_51 : vector<8x2048xi32>
    %xor3A_53 = arith.xori %bitcast_convert_type3A_46, %mul3A_52 : vector<8x2048xi32>
    %bitcast_convert_type3A_54 = tpu.bitcast %xor3A_53 : vector<8x2048xi32> -> vector<8x2048xi32>
    %swap3A_55 = arith.constant 0 : index
    %swap3A_56 = arith.constant 4096 : index
    %swap3A_57 = vector.load %arg4[%swap3A_55, %swap3A_56] : memref<8x32768xi32, #tpu.memory_space<vmem>>, vector<8x2048xi32>
    tpu.vector_store %arg4[%swap3A_55, %swap3A_56], %bitcast_convert_type3A_54 {strides = array<i32>} : memref<8x32768xi32, #tpu.memory_space<vmem>>, vector<8x2048xi32>,
    %get3A_58 = arith.constant 0 : index
    %get3A_59 = arith.constant 6144 : index
    %get3A_60 = vector.load %arg1[%get3A_58, %get3A_59] : memref<8x32768xf32, #tpu.memory_space<vmem>>, vector<8x2048xf32>
    %div3A_61 = vector.broadcast %get3A_1 : f32 to vector<8x2048xf32>
    %div3A_62 = arith.divf %get3A_60, %div3A_61 : vector<8x2048xf32>
    %get3A_63 = arith.constant 0 : index
    %get3A_64 = arith.constant 6144 : index
    %get3A_65 = vector.load %arg3[%get3A_63, %get3A_64] : memref<8x32768xf32, #tpu.memory_space<vmem>>, vector<8x2048xf32>
    %add3A_66 = arith.addf %div3A_62, %get3A_65 : vector<8x2048xf32>
    %bitcast_convert_type3A_67 = tpu.bitcast %add3A_66 : vector<8x2048xf32> -> vector<8x2048xi32>
    %shift_right_logical3A_68 = arith.constant 31 : i32
    %shift_right_logical3A_69 = vector.broadcast %shift_right_logical3A_68 : i32 to vector<8x2048xi32>
    %shift_right_logical3A_70 = arith.shrui %bitcast_convert_type3A_67, %shift_right_logical3A_69 : vector<8x2048xi32>
    %mul3A_71 = arith.constant 2147483647 : i32
    %mul3A_72 = vector.broadcast %mul3A_71 : i32 to vector<8x2048xi32>
    %mul3A_73 = arith.muli %shift_right_logical3A_70, %mul3A_72 : vector<8x2048xi32>
    %xor3A_74 = arith.xori %bitcast_convert_type3A_67, %mul3A_73 : vector<8x2048xi32>
    %bitcast_convert_type3A_75 = tpu.bitcast %xor3A_74 : vector<8x2048xi32> -> vector<8x2048xi32>
    %swap3A_76 = arith.constant 0 : index
    %swap3A_77 = arith.constant 6144 : index
    %swap3A_78 = vector.load %arg4[%swap3A_76, %swap3A_77] : memref<8x32768xi32, #tpu.memory_space<vmem>>, vector<8x2048xi32>
    tpu.vector_store %arg4[%swap3A_76, %swap3A_77], %bitcast_convert_type3A_75 {strides = array<i32>} : memref<8x32768xi32, #tpu.memory_space<vmem>>, vector<8x2048xi32>,
    %get3A_79 = arith.constant 0 : index
    %get3A_80 = arith.constant 8192 : index
    %get3A_81 = vector.load %arg1[%get3A_79, %get3A_80] : memref<8x32768xf32, #tpu.memory_space<vmem>>, vector<8x2048xf32>
    %div3A_82 = vector.broadcast %get3A_1 : f32 to vector<8x2048xf32>
    %div3A_83 = arith.divf %get3A_81, %div3A_82 : vector<8x2048xf32>
    %get3A_84 = arith.constant 0 : index
    %get3A_85 = arith.constant 8192 : index
    %get3A_86 = vector.load %arg3[%get3A_84, %get3A_85] : memref<8x32768xf32, #tpu.memory_space<vmem>>, vector<8x2048xf32>
    %add3A_87 = arith.addf %div3A_83, %get3A_86 : vector<8x2048xf32>
    %bitcast_convert_type3A_88 = tpu.bitcast %add3A_87 : vector<8x2048xf32> -> vector<8x2048xi32>
    %shift_right_logical3A_89 = arith.constant 31 : i32
    %shift_right_logical3A_90 = vector.broadcast %shift_right_logical3A_89 : i32 to vector<8x2048xi32>
    %shift_right_logical3A_91 = arith.shrui %bitcast_convert_type3A_88, %shift_right_logical3A_90 : vector<8x2048xi32>
    %mul3A_92 = arith.constant 2147483647 : i32
    %mul3A_93 = vector.broadcast %mul3A_92 : i32 to vector<8x2048xi32>
    %mul3A_94 = arith.muli %shift_right_logical3A_91, %mul3A_93 : vector<8x2048xi32>
    %xor3A_95 = arith.xori %bitcast_convert_type3A_88, %mul3A_94 : vector<8x2048xi32>
    %bitcast_convert_type3A_96 = tpu.bitcast %xor3A_95 : vector<8x2048xi32> -> vector<8x2048xi32>
    %swap3A_97 = arith.constant 0 : index
    %swap3A_98 = arith.constant 8192 : index
    %swap3A_99 = vector.load %arg4[%swap3A_97, %swap3A_98] : memref<8x32768xi32, #tpu.memory_space<vmem>>, vector<8x2048xi32>
    tpu.vector_store %arg4[%swap3A_97, %swap3A_98], %bitcast_convert_type3A_96 {strides = array<i32>} : memref<8x32768xi32, #tpu.memory_space<vmem>>, vector<8x2048xi32>,
    %get3A_100 = arith.constant 0 : index
    %get3A_101 = arith.constant 10240 : index
    %get3A_102 = vector.load %arg1[%get3A_100, %get3A_101] : memref<8x32768xf32, #tpu.memory_space<vmem>>, vector<8x2048xf32>
    %div3A_103 = vector.broadcast %get3A_1 : f32 to vector<8x2048xf32>
    %div3A_104 = arith.divf %get3A_102, %div3A_103 : vector<8x2048xf32>
    %get3A_105 = arith.constant 0 : index
    %get3A_106 = arith.constant 10240 : index
    %get3A_107 = vector.load %arg3[%get3A_105, %get3A_106] : memref<8x32768xf32, #tpu.memory_space<vmem>>, vector<8x2048xf32>
    %add3A_108 = arith.addf %div3A_104, %get3A_107 : vector<8x2048xf32>
    %bitcast_convert_type3A_109 = tpu.bitcast %add3A_108 : vector<8x2048xf32> -> vector<8x2048xi32>
    %shift_right_logical3A_110 = arith.constant 31 : i32
    %shift_right_logical3A_111 = vector.broadcast %shift_right_logical3A_110 : i32 to vector<8x2048xi32>
    %shift_right_logical3A_112 = arith.shrui %bitcast_convert_type3A_109, %shift_right_logical3A_111 : vector<8x2048xi32>
    %mul3A_113 = arith.constant 2147483647 : i32
    %mul3A_114 = vector.broadcast %mul3A_113 : i32 to vector<8x2048xi32>
    %mul3A_115 = arith.muli %shift_right_logical3A_112, %mul3A_114 : vector<8x2048xi32>
    %xor3A_116 = arith.xori %bitcast_convert_type3A_109, %mul3A_115 : vector<8x2048xi32>
    %bitcast_convert_type3A_117 = tpu.bitcast %xor3A_116 : vector<8x2048xi32> -> vector<8x2048xi32>
    %swap3A_118 = arith.constant 0 : index
    %swap3A_119 = arith.constant 10240 : index
    %swap3A_120 = vector.load %arg4[%swap3A_118, %swap3A_119] : memref<8x32768xi32, #tpu.memory_space<vmem>>, vector<8x2048xi32>
    tpu.vector_store %arg4[%swap3A_118, %swap3A_119], %bitcast_convert_type3A_117 {strides = array<i32>} : memref<8x32768xi32, #tpu.memory_space<vmem>>, vector<8x2048xi32>,
    %get3A_121 = arith.constant 0 : index
    %get3A_122 = arith.constant 12288 : index
    %get3A_123 = vector.load %arg1[%get3A_121, %get3A_122] : memref<8x32768xf32, #tpu.memory_space<vmem>>, vector<8x2048xf32>
    %div3A_124 = vector.broadcast %get3A_1 : f32 to vector<8x2048xf32>
    %div3A_125 = arith.divf %get3A_123, %div3A_124 : vector<8x2048xf32>
    %get3A_126 = arith.constant 0 : index
    %get3A_127 = arith.constant 12288 : index
    %get3A_128 = vector.load %arg3[%get3A_126, %get3A_127] : memref<8x32768xf32, #tpu.memory_space<vmem>>, vector<8x2048xf32>
    %add3A_129 = arith.addf %div3A_125, %get3A_128 : vector<8x2048xf32>
    %bitcast_convert_type3A_130 = tpu.bitcast %add3A_129 : vector<8x2048xf32> -> vector<8x2048xi32>
    %shift_right_logical3A_131 = arith.constant 31 : i32
    %shift_right_logical3A_132 = vector.broadcast %shift_right_logical3A_131 : i32 to vector<8x2048xi32>
    %shift_right_logical3A_133 = arith.shrui %bitcast_convert_type3A_130, %shift_right_logical3A_132 : vector<8x2048xi32>
    %mul3A_134 = arith.constant 2147483647 : i32
    %mul3A_135 = vector.broadcast %mul3A_134 : i32 to vector<8x2048xi32>
    %mul3A_136 = arith.muli %shift_right_logical3A_133, %mul3A_135 : vector<8x2048xi32>
    %xor3A_137 = arith.xori %bitcast_convert_type3A_130, %mul3A_136 : vector<8x2048xi32>
    %bitcast_convert_type3A_138 = tpu.bitcast %xor3A_137 : vector<8x2048xi32> -> vector<8x2048xi32>
    %swap3A_139 = arith.constant 0 : index
    %swap3A_140 = arith.constant 12288 : index
    %swap3A_141 = vector.load %arg4[%swap3A_139, %swap3A_140] : memref<8x32768xi32, #tpu.memory_space<vmem>>, vector<8x2048xi32>
    tpu.vector_store %arg4[%swap3A_139, %swap3A_140], %bitcast_convert_type3A_138 {strides = array<i32>} : memref<8x32768xi32, #tpu.memory_space<vmem>>, vector<8x2048xi32>,
    %get3A_142 = arith.constant 0 : index
    %get3A_143 = arith.constant 14336 : index
    %get3A_144 = vector.load %arg1[%get3A_142, %get3A_143] : memref<8x32768xf32, #tpu.memory_space<vmem>>, vector<8x2048xf32>
    %div3A_145 = vector.broadcast %get3A_1 : f32 to vector<8x2048xf32>
    %div3A_146 = arith.divf %get3A_144, %div3A_145 : vector<8x2048xf32>
    %get3A_147 = arith.constant 0 : index
    %get3A_148 = arith.constant 14336 : index
    %get3A_149 = vector.load %arg3[%get3A_147, %get3A_148] : memref<8x32768xf32, #tpu.memory_space<vmem>>, vector<8x2048xf32>
    %add3A_150 = arith.addf %div3A_146, %get3A_149 : vector<8x2048xf32>
    %bitcast_convert_type3A_151 = tpu.bitcast %add3A_150 : vector<8x2048xf32> -> vector<8x2048xi32>
    %shift_right_logical3A_152 = arith.constant 31 : i32
    %shift_right_logical3A_153 = vector.broadcast %shift_right_logical3A_152 : i32 to vector<8x2048xi32>
    %shift_right_logical3A_154 = arith.shrui %bitcast_convert_type3A_151, %shift_right_logical3A_153 : vector<8x2048xi32>
    %mul3A_155 = arith.constant 2147483647 : i32
    %mul3A_156 = vector.broadcast %mul3A_155 : i32 to vector<8x2048xi32>
    %mul3A_157 = arith.muli %shift_right_logical3A_154, %mul3A_156 : vector<8x2048xi32>
    %xor3A_158 = arith.xori %bitcast_convert_type3A_151, %mul3A_157 : vector<8x2048xi32>
    %bitcast_convert_type3A_159 = tpu.bitcast %xor3A_158 : vector<8x2048xi32> -> vector<8x2048xi32>
    %swap3A_160 = arith.constant 0 : index
    %swap3A_161 = arith.constant 14336 : index
    %swap3A_162 = vector.load %arg4[%swap3A_160, %swap3A_161] : memref<8x32768xi32, #tpu.memory_space<vmem>>, vector<8x2048xi32>
    tpu.vector_store %arg4[%swap3A_160, %swap3A_161], %bitcast_convert_type3A_159 {strides = array<i32>} : memref<8x32768xi32, #tpu.memory_space<vmem>>, vector<8x2048xi32>,
    %get3A_163 = arith.constant 0 : index
    %get3A_164 = arith.constant 16384 : index
    %get3A_165 = vector.load %arg1[%get3A_163, %get3A_164] : memref<8x32768xf32, #tpu.memory_space<vmem>>, vector<8x2048xf32>
    %div3A_166 = vector.broadcast %get3A_1 : f32 to vector<8x2048xf32>
    %div3A_167 = arith.divf %get3A_165, %div3A_166 : vector<8x2048xf32>
    %get3A_168 = arith.constant 0 : index
    %get3A_169 = arith.constant 16384 : index
    %get3A_170 = vector.load %arg3[%get3A_168, %get3A_169] : memref<8x32768xf32, #tpu.memory_space<vmem>>, vector<8x2048xf32>
    %add3A_171 = arith.addf %div3A_167, %get3A_170 : vector<8x2048xf32>
    %bitcast_convert_type3A_172 = tpu.bitcast %add3A_171 : vector<8x2048xf32> -> vector<8x2048xi32>
    %shift_right_logical3A_173 = arith.constant 31 : i32
    %shift_right_logical3A_174 = vector.broadcast %shift_right_logical3A_173 : i32 to vector<8x2048xi32>
    %shift_right_logical3A_175 = arith.shrui %bitcast_convert_type3A_172, %shift_right_logical3A_174 : vector<8x2048xi32>
    %mul3A_176 = arith.constant 2147483647 : i32
    %mul3A_177 = vector.broadcast %mul3A_176 : i32 to vector<8x2048xi32>
    %mul3A_178 = arith.muli %shift_right_logical3A_175, %mul3A_177 : vector<8x2048xi32>
    %xor3A_179 = arith.xori %bitcast_convert_type3A_172, %mul3A_178 : vector<8x2048xi32>
    %bitcast_convert_type3A_180 = tpu.bitcast %xor3A_179 : vector<8x2048xi32> -> vector<8x2048xi32>
    %swap3A_181 = arith.constant 0 : index
    %swap3A_182 = arith.constant 16384 : index
    %swap3A_183 = vector.load %arg4[%swap3A_181, %swap3A_182] : memref<8x32768xi32, #tpu.memory_space<vmem>>, vector<8x2048xi32>
    tpu.vector_store %arg4[%swap3A_181, %swap3A_182], %bitcast_convert_type3A_180 {strides = array<i32>} : memref<8x32768xi32, #tpu.memory_space<vmem>>, vector<8x2048xi32>,
    %get3A_184 = arith.constant 0 : index
    %get3A_185 = arith.constant 18432 : index
    %get3A_186 = vector.load %arg1[%get3A_184, %get3A_185] : memref<8x32768xf32, #tpu.memory_space<vmem>>, vector<8x2048xf32>
    %div3A_187 = vector.broadcast %get3A_1 : f32 to vector<8x2048xf32>
    %div3A_188 = arith.divf %get3A_186, %div3A_187 : vector<8x2048xf32>
    %get3A_189 = arith.constant 0 : index
    %get3A_190 = arith.constant 18432 : index
    %get3A_191 = vector.load %arg3[%get3A_189, %get3A_190] : memref<8x32768xf32, #tpu.memory_space<vmem>>, vector<8x2048xf32>
    %add3A_192 = arith.addf %div3A_188, %get3A_191 : vector<8x2048xf32>
    %bitcast_convert_type3A_193 = tpu.bitcast %add3A_192 : vector<8x2048xf32> -> vector<8x2048xi32>
    %shift_right_logical3A_194 = arith.constant 31 : i32
    %shift_right_logical3A_195 = vector.broadcast %shift_right_logical3A_194 : i32 to vector<8x2048xi32>
    %shift_right_logical3A_196 = arith.shrui %bitcast_convert_type3A_193, %shift_right_logical3A_195 : vector<8x2048xi32>
    %mul3A_197 = arith.constant 2147483647 : i32
    %mul3A_198 = vector.broadcast %mul3A_197 : i32 to vector<8x2048xi32>
    %mul3A_199 = arith.muli %shift_right_logical3A_196, %mul3A_198 : vector<8x2048xi32>
    %xor3A_200 = arith.xori %bitcast_convert_type3A_193, %mul3A_199 : vector<8x2048xi32>
    %bitcast_convert_type3A_201 = tpu.bitcast %xor3A_200 : vector<8x2048xi32> -> vector<8x2048xi32>
    %swap3A_202 = arith.constant 0 : index
    %swap3A_203 = arith.constant 18432 : index
    %swap3A_204 = vector.load %arg4[%swap3A_202, %swap3A_203] : memref<8x32768xi32, #tpu.memory_space<vmem>>, vector<8x2048xi32>
    tpu.vector_store %arg4[%swap3A_202, %swap3A_203], %bitcast_convert_type3A_201 {strides = array<i32>} : memref<8x32768xi32, #tpu.memory_space<vmem>>, vector<8x2048xi32>,
    %get3A_205 = arith.constant 0 : index
    %get3A_206 = arith.constant 20480 : index
    %get3A_207 = vector.load %arg1[%get3A_205, %get3A_206] : memref<8x32768xf32, #tpu.memory_space<vmem>>, vector<8x2048xf32>
    %div3A_208 = vector.broadcast %get3A_1 : f32 to vector<8x2048xf32>
    %div3A_209 = arith.divf %get3A_207, %div3A_208 : vector<8x2048xf32>
    %get3A_210 = arith.constant 0 : index
    %get3A_211 = arith.constant 20480 : index
    %get3A_212 = vector.load %arg3[%get3A_210, %get3A_211] : memref<8x32768xf32, #tpu.memory_space<vmem>>, vector<8x2048xf32>
    %add3A_213 = arith.addf %div3A_209, %get3A_212 : vector<8x2048xf32>
    %bitcast_convert_type3A_214 = tpu.bitcast %add3A_213 : vector<8x2048xf32> -> vector<8x2048xi32>
    %shift_right_logical3A_215 = arith.constant 31 : i32
    %shift_right_logical3A_216 = vector.broadcast %shift_right_logical3A_215 : i32 to vector<8x2048xi32>
    %shift_right_logical3A_217 = arith.shrui %bitcast_convert_type3A_214, %shift_right_logical3A_216 : vector<8x2048xi32>
    %mul3A_218 = arith.constant 2147483647 : i32
    %mul3A_219 = vector.broadcast %mul3A_218 : i32 to vector<8x2048xi32>
    %mul3A_220 = arith.muli %shift_right_logical3A_217, %mul3A_219 : vector<8x2048xi32>
    %xor3A_221 = arith.xori %bitcast_convert_type3A_214, %mul3A_220 : vector<8x2048xi32>
    %bitcast_convert_type3A_222 = tpu.bitcast %xor3A_221 : vector<8x2048xi32> -> vector<8x2048xi32>
    %swap3A_223 = arith.constant 0 : index
    %swap3A_224 = arith.constant 20480 : index
    %swap3A_225 = vector.load %arg4[%swap3A_223, %swap3A_224] : memref<8x32768xi32, #tpu.memory_space<vmem>>, vector<8x2048xi32>
    tpu.vector_store %arg4[%swap3A_223, %swap3A_224], %bitcast_convert_type3A_222 {strides = array<i32>} : memref<8x32768xi32, #tpu.memory_space<vmem>>, vector<8x2048xi32>,
    %get3A_226 = arith.constant 0 : index
    %get3A_227 = arith.constant 22528 : index
    %get3A_228 = vector.load %arg1[%get3A_226, %get3A_227] : memref<8x32768xf32, #tpu.memory_space<vmem>>, vector<8x2048xf32>
    %div3A_229 = vector.broadcast %get3A_1 : f32 to vector<8x2048xf32>
    %div3A_230 = arith.divf %get3A_228, %div3A_229 : vector<8x2048xf32>
    %get3A_231 = arith.constant 0 : index
    %get3A_232 = arith.constant 22528 : index
    %get3A_233 = vector.load %arg3[%get3A_231, %get3A_232] : memref<8x32768xf32, #tpu.memory_space<vmem>>, vector<8x2048xf32>
    %add3A_234 = arith.addf %div3A_230, %get3A_233 : vector<8x2048xf32>
    %bitcast_convert_type3A_235 = tpu.bitcast %add3A_234 : vector<8x2048xf32> -> vector<8x2048xi32>
    %shift_right_logical3A_236 = arith.constant 31 : i32
    %shift_right_logical3A_237 = vector.broadcast %shift_right_logical3A_236 : i32 to vector<8x2048xi32>
    %shift_right_logical3A_238 = arith.shrui %bitcast_convert_type3A_235, %shift_right_logical3A_237 : vector<8x2048xi32>
    %mul3A_239 = arith.constant 2147483647 : i32
    %mul3A_240 = vector.broadcast %mul3A_239 : i32 to vector<8x2048xi32>
    %mul3A_241 = arith.muli %shift_right_logical3A_238, %mul3A_240 : vector<8x2048xi32>
    %xor3A_242 = arith.xori %bitcast_convert_type3A_235, %mul3A_241 : vector<8x2048xi32>
    %bitcast_convert_type3A_243 = tpu.bitcast %xor3A_242 : vector<8x2048xi32> -> vector<8x2048xi32>
    %swap3A_244 = arith.constant 0 : index
    %swap3A_245 = arith.constant 22528 : index
    %swap3A_246 = vector.load %arg4[%swap3A_244, %swap3A_245] : memref<8x32768xi32, #tpu.memory_space<vmem>>, vector<8x2048xi32>
    tpu.vector_store %arg4[%swap3A_244, %swap3A_245], %bitcast_convert_type3A_243 {strides = array<i32>} : memref<8x32768xi32, #tpu.memory_space<vmem>>, vector<8x2048xi32>,
    %get3A_247 = arith.constant 0 : index
    %get3A_248 = arith.constant 24576 : index
    %get3A_249 = vector.load %arg1[%get3A_247, %get3A_248] : memref<8x32768xf32, #tpu.memory_space<vmem>>, vector<8x2048xf32>
    %div3A_250 = vector.broadcast %get3A_1 : f32 to vector<8x2048xf32>
    %div3A_251 = arith.divf %get3A_249, %div3A_250 : vector<8x2048xf32>
    %get3A_252 = arith.constant 0 : index
    %get3A_253 = arith.constant 24576 : index
    %get3A_254 = vector.load %arg3[%get3A_252, %get3A_253] : memref<8x32768xf32, #tpu.memory_space<vmem>>, vector<8x2048xf32>
    %add3A_255 = arith.addf %div3A_251, %get3A_254 : vector<8x2048xf32>
    %bitcast_convert_type3A_256 = tpu.bitcast %add3A_255 : vector<8x2048xf32> -> vector<8x2048xi32>
    %shift_right_logical3A_257 = arith.constant 31 : i32
    %shift_right_logical3A_258 = vector.broadcast %shift_right_logical3A_257 : i32 to vector<8x2048xi32>
    %shift_right_logical3A_259 = arith.shrui %bitcast_convert_type3A_256, %shift_right_logical3A_258 : vector<8x2048xi32>
    %mul3A_260 = arith.constant 2147483647 : i32
    %mul3A_261 = vector.broadcast %mul3A_260 : i32 to vector<8x2048xi32>
    %mul3A_262 = arith.muli %shift_right_logical3A_259, %mul3A_261 : vector<8x2048xi32>
    %xor3A_263 = arith.xori %bitcast_convert_type3A_256, %mul3A_262 : vector<8x2048xi32>
    %bitcast_convert_type3A_264 = tpu.bitcast %xor3A_263 : vector<8x2048xi32> -> vector<8x2048xi32>
    %swap3A_265 = arith.constant 0 : index
    %swap3A_266 = arith.constant 24576 : index
    %swap3A_267 = vector.load %arg4[%swap3A_265, %swap3A_266] : memref<8x32768xi32, #tpu.memory_space<vmem>>, vector<8x2048xi32>
    tpu.vector_store %arg4[%swap3A_265, %swap3A_266], %bitcast_convert_type3A_264 {strides = array<i32>} : memref<8x32768xi32, #tpu.memory_space<vmem>>, vector<8x2048xi32>,
    %get3A_268 = arith.constant 0 : index
    %get3A_269 = arith.constant 26624 : index
    %get3A_270 = vector.load %arg1[%get3A_268, %get3A_269] : memref<8x32768xf32, #tpu.memory_space<vmem>>, vector<8x2048xf32>
    %div3A_271 = vector.broadcast %get3A_1 : f32 to vector<8x2048xf32>
    %div3A_272 = arith.divf %get3A_270, %div3A_271 : vector<8x2048xf32>
    %get3A_273 = arith.constant 0 : index
    %get3A_274 = arith.constant 26624 : index
    %get3A_275 = vector.load %arg3[%get3A_273, %get3A_274] : memref<8x32768xf32, #tpu.memory_space<vmem>>, vector<8x2048xf32>
    %add3A_276 = arith.addf %div3A_272, %get3A_275 : vector<8x2048xf32>
    %bitcast_convert_type3A_277 = tpu.bitcast %add3A_276 : vector<8x2048xf32> -> vector<8x2048xi32>
    %shift_right_logical3A_278 = arith.constant 31 : i32
    %shift_right_logical3A_279 = vector.broadcast %shift_right_logical3A_278 : i32 to vector<8x2048xi32>
    %shift_right_logical3A_280 = arith.shrui %bitcast_convert_type3A_277, %shift_right_logical3A_279 : vector<8x2048xi32>
    %mul3A_281 = arith.constant 2147483647 : i32
    %mul3A_282 = vector.broadcast %mul3A_281 : i32 to vector<8x2048xi32>
    %mul3A_283 = arith.muli %shift_right_logical3A_280, %mul3A_282 : vector<8x2048xi32>
    %xor3A_284 = arith.xori %bitcast_convert_type3A_277, %mul3A_283 : vector<8x2048xi32>
    %bitcast_convert_type3A_285 = tpu.bitcast %xor3A_284 : vector<8x2048xi32> -> vector<8x2048xi32>
    %swap3A_286 = arith.constant 0 : index
    %swap3A_287 = arith.constant 26624 : index
    %swap3A_288 = vector.load %arg4[%swap3A_286, %swap3A_287] : memref<8x32768xi32, #tpu.memory_space<vmem>>, vector<8x2048xi32>
    tpu.vector_store %arg4[%swap3A_286, %swap3A_287], %bitcast_convert_type3A_285 {strides = array<i32>} : memref<8x32768xi32, #tpu.memory_space<vmem>>, vector<8x2048xi32>,
    %get3A_289 = arith.constant 0 : index
    %get3A_290 = arith.constant 28672 : index
    %get3A_291 = vector.load %arg1[%get3A_289, %get3A_290] : memref<8x32768xf32, #tpu.memory_space<vmem>>, vector<8x2048xf32>
    %div3A_292 = vector.broadcast %get3A_1 : f32 to vector<8x2048xf32>
    %div3A_293 = arith.divf %get3A_291, %div3A_292 : vector<8x2048xf32>
    %get3A_294 = arith.constant 0 : index
    %get3A_295 = arith.constant 28672 : index
    %get3A_296 = vector.load %arg3[%get3A_294, %get3A_295] : memref<8x32768xf32, #tpu.memory_space<vmem>>, vector<8x2048xf32>
    %add3A_297 = arith.addf %div3A_293, %get3A_296 : vector<8x2048xf32>
    %bitcast_convert_type3A_298 = tpu.bitcast %add3A_297 : vector<8x2048xf32> -> vector<8x2048xi32>
    %shift_right_logical3A_299 = arith.constant 31 : i32
    %shift_right_logical3A_300 = vector.broadcast %shift_right_logical3A_299 : i32 to vector<8x2048xi32>
    %shift_right_logical3A_301 = arith.shrui %bitcast_convert_type3A_298, %shift_right_logical3A_300 : vector<8x2048xi32>
    %mul3A_302 = arith.constant 2147483647 : i32
    %mul3A_303 = vector.broadcast %mul3A_302 : i32 to vector<8x2048xi32>
    %mul3A_304 = arith.muli %shift_right_logical3A_301, %mul3A_303 : vector<8x2048xi32>
    %xor3A_305 = arith.xori %bitcast_convert_type3A_298, %mul3A_304 : vector<8x2048xi32>
    %bitcast_convert_type3A_306 = tpu.bitcast %xor3A_305 : vector<8x2048xi32> -> vector<8x2048xi32>
    %swap3A_307 = arith.constant 0 : index
    %swap3A_308 = arith.constant 28672 : index
    %swap3A_309 = vector.load %arg4[%swap3A_307, %swap3A_308] : memref<8x32768xi32, #tpu.memory_space<vmem>>, vector<8x2048xi32>
    tpu.vector_store %arg4[%swap3A_307, %swap3A_308], %bitcast_convert_type3A_306 {strides = array<i32>} : memref<8x32768xi32, #tpu.memory_space<vmem>>, vector<8x2048xi32>,
    %get3A_310 = arith.constant 0 : index
    %get3A_311 = arith.constant 30720 : index
    %get3A_312 = vector.load %arg1[%get3A_310, %get3A_311] : memref<8x32768xf32, #tpu.memory_space<vmem>>, vector<8x2048xf32>
    %div3A_313 = vector.broadcast %get3A_1 : f32 to vector<8x2048xf32>
    %div3A_314 = arith.divf %get3A_312, %div3A_313 : vector<8x2048xf32>
    %get3A_315 = arith.constant 0 : index
    %get3A_316 = arith.constant 30720 : index
    %get3A_317 = vector.load %arg3[%get3A_315, %get3A_316] : memref<8x32768xf32, #tpu.memory_space<vmem>>, vector<8x2048xf32>
    %add3A_318 = arith.addf %div3A_314, %get3A_317 : vector<8x2048xf32>
    %bitcast_convert_type3A_319 = tpu.bitcast %add3A_318 : vector<8x2048xf32> -> vector<8x2048xi32>
    %shift_right_logical3A_320 = arith.constant 31 : i32
    %shift_right_logical3A_321 = vector.broadcast %shift_right_logical3A_320 : i32 to vector<8x2048xi32>
    %shift_right_logical3A_322 = arith.shrui %bitcast_convert_type3A_319, %shift_right_logical3A_321 : vector<8x2048xi32>
    %mul3A_323 = arith.constant 2147483647 : i32
    %mul3A_324 = vector.broadcast %mul3A_323 : i32 to vector<8x2048xi32>
    %mul3A_325 = arith.muli %shift_right_logical3A_322, %mul3A_324 : vector<8x2048xi32>
    %xor3A_326 = arith.xori %bitcast_convert_type3A_319, %mul3A_325 : vector<8x2048xi32>
    %bitcast_convert_type3A_327 = tpu.bitcast %xor3A_326 : vector<8x2048xi32> -> vector<8x2048xi32>
    %swap3A_328 = arith.constant 0 : index
    %swap3A_329 = arith.constant 30720 : index
    %swap3A_330 = vector.load %arg4[%swap3A_328, %swap3A_329] : memref<8x32768xi32, #tpu.memory_space<vmem>>, vector<8x2048xi32>
    tpu.vector_store %arg4[%swap3A_328, %swap3A_329], %bitcast_convert_type3A_327 {strides = array<i32>} : memref<8x32768xi32, #tpu.memory_space<vmem>>, vector<8x2048xi32>,
    return
  }
  func.func @transform_0(%arg0: i32) -> (i32, i32) {
    %c0_i32 = arith.constant 0 : i32
    %c0_i32_0 = arith.constant 0 : i32
    return %arg0, %c0_i32 : i32, i32
  }
  func.func @transform_1(%arg0: i32) -> (i32, i32) {
    %c0_i32 = arith.constant 0 : i32
    %c0_i32_0 = arith.constant 0 : i32
    %c0_i32_1 = arith.constant 0 : i32
    return %c0_i32, %c0_i32_0 : i32, i32
  }
  func.func @transform_2(%arg0: i32) -> (i32, i32) {
    %c0_i32 = arith.constant 0 : i32
    %c0_i32_0 = arith.constant 0 : i32
    return %arg0, %c0_i32 : i32, i32
  }
  func.func @transform_3(%arg0: i32) -> (i32, i32) {
    %c0_i32 = arith.constant 0 : i32
    %c0_i32_0 = arith.constant 0 : i32
    return %arg0, %c0_i32 : i32, i32
  }
}

</mosaic_0001>

<sc_bundles>
// kernel: kernel.4.cloned.1.call-start
scs
__scs_entry_jumppad:
0x0: {  	(pc) =	sbr.rel $0x88, $3  }
0x1: {  	(tag) =	ssettag $0x0;
	lr =	simm.s32 $0x1  }
0x2: {  	[smem:$0x3F9F] =	sst lr;
	_ =	strace $0xD0000000  }
0x3: {  	_ = 	snop  }
0x4: {  	_ = 	snop  }
0x5: {  	_ = 	snop  }
0x6: {  	_ = 	snop  }
0x7: {  	_ = 	snop  }
__scs_overlays_trampoline_lowered:
0x8: {  	[smem:$0x3FAE] =	sst s0  }
0x9: {  	[smem:$0x3FAF] =	sst s1  }
0xa: {  	[smem:$0x3FB0] =	sst s2  }
0xb: {  	[smem:$0x3FB1] =	sst s3  }
0xc: {  	[smem:$0x3FB2] =	sst s4  }
0xd: {  	[smem:$0x3FB3] =	sst s5  }
0xe: {  	[smem:$0x3FB4] =	sst s6  }
0xf: {  	[smem:$0x3FB5] =	sst s7  }
0x10: {  	[smem:$0x3FB6] =	sst s8  }
0x11: {  	[smem:$0x3FB7] =	sst s9;
	s0 =	simm.s32 @!p0 $0x0  }
0x12: {  	s1 =	sld [smem:$0x3F9D];
	s0 =	simm.s32 @p0 $0x1  }
0x13: {  	[smem:$0x3FB8] =	sst s0;
	s0 =	simm.s32 @!p1 $0x0  }
0x14: {  	s2 =	sld [smem:$0x3F9C];
	s0 =	simm.s32 @p1 $0x1  }
0x15: {  	[smem:$0x3FB9] =	sst s0;
	s0 =	simm.s32 @!p2 $0x0  }
0x16: {  	s3 =	sld [smem:$0x3FDB];
	s0 =	simm.s32 @p2 $0x1  }
0x17: {  	s4 =	simm.s32 $0x1BF5;
	[smem:$0x3FBB] =	sst s0  }
0x18: {  	s0 =	sld [smem:$0x3F9E];
	_ =	swait.ge [sflag:s4], $0x0  }
0x19: {  	s7 =	sld [smem:$0x3F9F]  }
0x1a: {  	s8 =	sadd.s32 $0xFFFFE003, lr  }
0x1b: {  	s9 =	sadd.s32 $0xFFFFFEF7, lr;
	s5 =	simm.s32 $0xFFFFFFFF;
	p2 =	slt.u32 s8, $0xFFFFF086  }
0x1c: {  	p1 =	slt.u32 s9, $0xF7A;
	s5 =	simm.s32 @!p2 $0x0  }
0x1d: {  	s5 =	simm.s32 @p1 $0x1;
	p0 =	seq.s32 s7, s2  }
0x1e: {  	s7 =	smul.u32 @!p0 $0xF7A, s2;
	p2 =	seq.s32 @!p0 s5, $0x0  }
0x1f: {  	s9 =	smul.u32 $0xF7A, s1;
	s8 =	simm.s32 @!p0 $0x1BF5;
	p2 =	por !p2, p0  }
0x20: {  	[sflag:s8] =	ssyncset.s32 @!p0 $0xFFFFF086;
	s6 =	sadd.s32 @!p0 s3, s7;
	s7 =	simm.s32 @!p0 $0x108  }
0x21: {  	s3 =	sadd.s32 s3, s9;
	s6 =	sadd.s32 @!p0 $0x88, s6;
	s7 =	simm.s32 @p2 $0x1082  }
0x22: {  	[simem:s7], [sflag:s8] =	dma.local @!p0 [hbm:s6], $0xF7A  }
0x23: {  	s9 =	sor.u32 $0xD0000000, s2;
	s6 =	simm.s32 $0x108;
	_ =	swait.ge @!p0 [sflag:s8], $0x0  }
0x24: {  	s3 =	sadd.s32 $0x88, s3;
	s6 =	simm.s32 @!p1 $0x1082;
	[sflag:s4] =	ssyncset.s32 $0xFFFFF086  }
0x25: {  	[simem:s6], [sflag:s4] =	dma.local [hbm:s3], $0xF7A  }
0x26: {  	[smem:$0x3F9F] =	sst s1;
	(tag) =	ssettag s2;
	_ =	strace s9  }
0x27: {  	s1 =	sld [smem:$0x3FAF]  }
0x28: {  	s2 =	sld [smem:$0x3FB0]  }
0x29: {  	s4 =	sld [smem:$0x3FB2]  }
0x2a: {  	p0 =	seq.s32 s5, $0x0;
	s5 =	sld [smem:$0x3FB3]  }
0x2b: {  	s6 =	sld [smem:$0x3FB4]  }
0x2c: {  	s7 =	sld [smem:$0x3FB5]  }
0x2d: {  	s3 =	simm.s32 $0x108;
	s8 =	sld [smem:$0x3FB6]  }
0x2e: {  	s3 =	simm.s32 @!p0 $0x1082;
	s9 =	sld [smem:$0x3FB7]  }
0x2f: {  	lr =	sadd.s32 s0, s3;
	s0 =	sld [smem:$0x3FAE]  }
0x30: {  	s3 =	sld [smem:$0x3FB1]  }
0x31: {  	[smem:$0x3FBA] =	sst s10  }
0x32: {  	s10 =	sld [smem:$0x3FB8];
	_ =	sdelay $0x3  }
0x33: {  	p0 =	seq.s32 s10, $0x1;
	s10 =	sld [smem:$0x3FBA];
	_ =	sdelay $0x3  }
0x34: {  	[smem:$0x3FBA] =	sst s10  }
0x35: {  	s10 =	sld [smem:$0x3FB9];
	_ =	sdelay $0x3  }
0x36: {  	p1 =	seq.s32 s10, $0x1;
	s10 =	sld [smem:$0x3FBA];
	_ =	sdelay $0x3  }
0x37: {  	[smem:$0x3FBA] =	sst s10  }
0x38: {  	s10 =	sld [smem:$0x3FBB]  }
0x39: {  	_ = 	snop;
	(pc) =	sbr.ind lr, $3  }
0x3a: {  	_ = 	snop  }
0x3b: {  	_ = 	snop  }
0x3c: {  	p2 =	seq.s32 s10, $0x1;
	s10 =	sld [smem:$0x3FBA]  }
0x3d: {  	_ =	shalt  }
0x3e: {  	_ =	shalt  }
0x3f: {  	_ =	shalt  }
0x40: {  	_ =	shalt  }
0x41: {  	_ =	shalt  }
0x42: {  	_ =	shalt  }
0x43: {  	_ =	shalt  }
0x44: {  	_ =	shalt  }
0x45: {  	_ =	shalt  }
0x46: {  	_ =	shalt  }
0x47: {  	_ =	shalt  }
0x48: {  	_ =	shalt  }
0x49: {  	_ =	shalt  }
0x4a: {  	_ =	shalt  }
0x4b: {  	_ =	shalt  }
0x4c: {  	_ =	shalt  }
0x4d: {  	_ =	shalt  }
0x4e: {  	_ =	shalt  }
0x4f: {  	_ =	shalt  }
0x50: {  	_ =	shalt  }
0x51: {  	_ =	shalt  }
0x52: {  	_ =	shalt  }
0x53: {  	_ =	shalt  }
0x54: {  	_ =	shalt  }
0x55: {  	_ =	shalt  }
0x56: {  	_ =	shalt  }
0x57: {  	_ =	shalt  }
0x58: {  	_ =	shalt  }
0x59: {  	_ =	shalt  }
0x5a: {  	_ =	shalt  }
0x5b: {  	_ =	shalt  }
0x5c: {  	_ =	shalt  }
0x5d: {  	_ =	shalt  }
0x5e: {  	_ =	shalt  }
0x5f: {  	_ =	shalt  }
0x60: {  	_ =	shalt  }
0x61: {  	_ =	shalt  }
0x62: {  	_ =	shalt  }
0x63: {  	_ =	shalt  }
0x64: {  	_ =	shalt  }
0x65: {  	_ =	shalt  }
0x66: {  	_ =	shalt  }
0x67: {  	_ =	shalt  }
0x68: {  	_ =	shalt  }
0x69: {  	_ =	shalt  }
0x6a: {  	_ =	shalt  }
0x6b: {  	_ =	shalt  }
0x6c: {  	_ =	shalt  }
0x6d: {  	_ =	shalt  }
0x6e: {  	_ =	shalt  }
0x6f: {  	_ =	shalt  }
0x70: {  	_ =	shalt  }
0x71: {  	_ =	shalt  }
0x72: {  	_ =	shalt  }
0x73: {  	_ =	shalt  }
0x74: {  	_ =	shalt  }
0x75: {  	_ =	shalt  }
0x76: {  	_ =	shalt  }
0x77: {  	_ =	shalt  }
0x78: {  	_ =	shalt  }
0x79: {  	_ =	shalt  }
0x7a: {  	_ =	shalt  }
0x7b: {  	_ =	shalt  }
0x7c: {  	_ =	shalt  }
0x7d: {  	_ =	shalt  }
0x7e: {  	_ =	shalt  }
0x7f: {  	_ =	shalt  }
0x80: {  	_ =	shalt  }
0x81: {  	_ =	shalt  }
0x82: {  	_ =	shalt  }
0x83: {  	_ =	shalt  }
0x84: {  	_ =	shalt  }
0x85: {  	_ =	shalt  }
0x86: {  	_ =	shalt  }
0x87: {  	_ =	shalt  }
.Lfunc_end0:
.L_simem_size_0:
called_computation_lowered:
.L_overlay_start_0:
0x88: {  	s2 =	sld [smem:$0x3FD9]  }
0x89: {  	s3 =	sld [smem:$0x3FFE];
	_ =	sdelay $0x1  }
0x8a: {  	s1 =	srdreg.scid  }
0x8b: {  	s0 =	sand.u32 $0x1, s1  }
0x8c: {  	s17 =	sshll.u32 s0, $0xA;
	s2 =	sadd.s32 s3, s2  }
0x8d: {  	s2 =	sadd.s32 s2, s17  }
0x8e: {  	[smem:$0x3FC6] =	sst s2  }
0x8f: {  	_ = 	snop  }
0x90: {  	s2 =	sld [smem:$0x3FD0];
	(tm) =	ssettm $0x1  }
0x91: {  	s18 =	sld [smem:$0x3FFB];
	_ =	sdelay $0x3  }
0x92: {  	_ =	strace s18  }
0x93: {  	s3 =	sld [smem:$0x3FFC];
	_ =	sdelay $0x3  }
0x94: {  	_ =	strace s3  }
0x95: {  	s3 =	sld [smem:$0x3FFD];
	_ =	sdelay $0x3  }
0x96: {  	_ =	strace s3  }
0x97: {  	_ =	strace $0x8FFFFFFF  }
0x98: {  	s19 =	sld [smem:$0x3FDB];
	_ =	sdelay $0x1  }
0x99: {  	s4 =	simm.s32 $_scs_section_size  }
0x9a: {  	s5 =	simm.s32 $_size__tile_overlayer_lowered;
	s6 =	simm.s32 $_tile_overlayer_lowered  }
0x9b: {  	s22 =	simm.s32 $0x1BFF;
	s21 =	sshll.u32 s6, $0x1;
	s3 =	sadd.s32 s4, s19  }
0x9c: {  	s7 =	simm.s32 $0x0;
	s20 =	sshll.u32 s5, $0x1;
	s5 =	sadd.s32 s21, s3  }
0x9d: {  	[timem:s7], [sflag:s22] =	dma.local [hbm:s5], s20  }
0x9e: {  	_ =	swait.ge [sflag:s22], s20  }
0x9f: {  	s4 =	ssub.s32 $0x0, s20;
	[sflag:s22] =	ssyncset.done $0x0  }
0xa0: {  	[sflag:s22] =	ssyncadd.s32 s4;
	_ =	sdelay $0x1  }
0xa1: {  	s23 =	simm.s32 $0x1B8B  }
0xa2: {  	_ =	swait.ge [sflag:s23], $0x1  }
0xa3: {  	[sflag:s23] =	ssyncset.done $0x0  }
0xa4: {  	s25 =	simm.s32 $0x1B8E;
	s24 =	sld [smem:$0x3FFE];
	[sflag:s23] =	ssyncadd.s32 $0xFFFFFFFF  }
0xa5: {  	s26 =	simm.s32 $execute0_lowered;
	[smem:$0x3FD2] =	sst s25  }
0xa6: {  	s5 =	sshll.u32 s26, $0x1;
	_ =	strace $0x80000046;
	[dreg:$0x1] =	wrdreg $0xFFFFFFFF  }
0xa7: {  	s28 =	simm.s32 $_size_execute0_lowered;
	s3 =	sadd.s32 s3, s5;
	[dreg:$0x0] =	wrdreg $0x0  }
0xa8: {  	s5 =	sshll.u32 s28, $0x1;
	[dreg:$0x2] =	wrdreg s3  }
0xa9: {  	[dreg:$0x3] =	wrdreg s5  }
0xaa: {  	[dreg:$0x4] =	wrdreg $0xC0  }
0xab: {  	_ =	task [dreg:s7], $0x5FFFF  }
0xac: {  	[dreg:$0x1] =	wrdreg $0xFFFFFFFF  }
0xad: {  	[dreg:$0x0] =	wrdreg $0x60  }
0xae: {  	[dreg:$0x2] =	wrdreg s2  }
0xaf: {  	[dreg:$0x3] =	wrdreg s24  }
0xb0: {  	[dreg:$0x4] =	wrdreg $0x9  }
0xb1: {  	_ =	task.clear_ibuf [dreg:s7], $0x5FFFF;
	_ =	strace $0x90000046  }
0xb2: {  	s29 =	simm.s32 $0x9;
	_ =	strace $0x80000048  }
0xb3: {  	_ =	swait.ge [sflag:s29], $0x1  }
0xb4: {  	[sflag:s29] =	ssyncadd.s32 $0xFFFFFFFF  }
0xb5: {  	_ =	strace $0x90000048  }
0xb6: {  	_ =	sfence  }
0xb7: {  	s30 =	sld [smem:$0x0];
	_ =	sdelay $0x2  }
0xb8: {  	s31 =	sshll.u32 s1, $0xD;
	s1 =	sshrl.u32 s1, $0x2  }
0xb9: {  	s3 =	sand.u32 $0x4000, s31;
	s1 =	sadd.s32 s1, s30  }
0xba: {  	s0 =	sor.u32 s3, s0;
	s1 =	sshll.u32 s1, $0x11  }
0xbb: {  	s0 =	sor.u32 s1, s0  }
0xbc: {  	s0 =	sadd.s32 $0x8F2B, s0  }
0xbd: {  	[sflag:s0] =	ssyncadd.remote.s32 $0x1  }
0xbe: {  	_ =	sfence.sel $0xFFFF  }
0xbf: {  	[dreg:$0x0] =	wrdreg $0xFFFFFFFF;
	(pc) =	sbr.abs _section_cstart, $3  }
0xc0: {  	[dreg:$0x1] =	wrdreg $0xFFFFFFFF  }
0xc1: {  	_ =	task.clear_ibuf [dreg:s7], $0x2FFFF;
	_ =	strace $0x9FFFFFFF  }
0xc2: {  	(tm) =	ssettm $0x7FFFFFFF  }
0xc3: {  	_ =	shalt  }
tec
execute0_lowered:
.L_overlay_start_1:
0x0: {  	(tag) =	ssettag $0x1  }
0x1: {  	s1 =	rddreg [dreg:$0x0]  }
0x2: {  	s3 =	rddreg [dreg:$0x1]  }
0x3: {  	s0 =	rddreg [dreg:$0x2];
	s2 =	simm.s32 $0x0  }
0x4: {  	s4 =	srdreg.scid;
	s8 =	simm.s32 $0x400;
	s9 =	simm.s32 $0x1  }
0x5: {  	s10 =	simm.s32 $0x8000;
	s11 =	simm.s32 $0xA000;
	s12 =	simm.s32 $0xA400  }
0x6: {  	s13 =	simm.s32 $0x12400;
	s14 =	simm.s32 $0x10000;
	s15 =	simm.s32 $0x4000  }
.Ltmp0:
0x7: {  	s16 =	simm.s32 $0x0;
	s5 =	sand.u32 $0x1, s4;
	(pc) =	sbr.rel .LBB2_1-.Ltmp0, $4  }
0x8: {  	[smem:$0x7FF] =	sst s2;
	s4 =	sadd.s32 $0x800, s3;
	s6 =	ssub.s32 $0x2, s5  }
0x9: {  	s3 =	stileid.u32;
	_ =	strace $0x80000047;
	s7 =	sshrl.u32 s6, $0x1  }
0xa: {  	v0 =	vimm.s32 $0x0;
	v1 =	vlaneseq.u32;
	s31 =	sshll.u32 s3, $0xF;
	s5 =	sshll.u32 s5, $0x6;
	s6 =	ssub.s32 s6, s7  }
0xb: {  	v3 =	vimm.s32 $0x1;
	v2 =	vor.u32 $0x1000, v1;
	v4 =	vmul.u32 $0x800, v1;
	s5 =	sor.u32 s31, s5;
	s7 =	simm.s32 $0x80;
	s6 =	smax.u32 s6, $0x1  }
.LBB2_56:
0xc: {  	s16 =	sadd.s32 $0x1, s16  }
0xd: {  	p0 =	sne.s32 s16, s6  }
.Ltmp1:
0xe: {  	_ = 	snop;
	(pc) =	sbr.rel @!p0 .LBB2_57-.Ltmp1, $1  }
0xf: {  	_ =	sdelay $0x3  }
.LBB2_1:
0x10: {  	s17 =	simm.s32 $0x0  }
.LBB2_2:
0x11: {  	s18 =	sshll.u32 s17, $0x4  }
0x12: {  	s18 =	sadd.s32 s5, s18  }
0x13: {  	s19 =	sadd.s32 s1, s18  }
0x14: {  	[tilespmem:s2], [sflag:$0x1] =	stream.strided.gather [hbm4b:s19+s7], $0x8000, s8, s7, $0x38;
	[tilespmem:$0x1A400] =	vst v63  }
0x15: {  	_ =	swait.ge [sflag:s9], $0x8000  }
0x16: {  	[sflag:s9] =	ssyncset.done $0x0  }
0x17: {  	s20 =	simm.s32 $0x8040;
	[sflag:s9] =	ssyncadd.s32 $0xFFFF8000  }
0x18: {  	[tilespmem:s20+$0xFFFFFFC0] =	vst v0  }
0x19: {  	[tilespmem:s20+$0x30] =	vst v0  }
0x1a: {  	[tilespmem:s20+$0x20] =	vst v0  }
0x1b: {  	[tilespmem:s20+$0x10] =	vst v0  }
0x1c: {  	[tilespmem:s20+$0x0] =	vst v0  }
0x1d: {  	[tilespmem:s20+$0xFFFFFFF0] =	vst v0  }
0x1e: {  	s21 =	simm.s32 $0x0;
	[tilespmem:s20+$0xFFFFFFE0] =	vst v0  }
.LBB2_3:
0x1f: {  	s21 =	sadd.s32 $0x8, s21;
	[tilespmem:s20+$0xFFFFFFD0] =	vst v0;
	s20 =	sadd.s32 $0x80, s20;
	s19 =	simm.s32 $0x40  }
0x20: {  	[tilespmem:s20+$0xFFFFFFC0] =	vst v0;
	p0 =	slt.u32 s21, $0x1F8  }
0x21: {  	[tilespmem:s20+$0x30] =	vst v0  }
.Ltmp2:
0x22: {  	[tilespmem:s20+$0x20] =	vst v0;
	(pc) =	sbr.rel @p0 .LBB2_3-.Ltmp2, $4  }
0x23: {  	[tilespmem:s20+$0x10] =	vst v0  }
0x24: {  	[tilespmem:s20+$0x0] =	vst v0  }
0x25: {  	[tilespmem:s20+$0xFFFFFFF0] =	vst v0  }
0x26: {  	[tilespmem:s20+$0xFFFFFFE0] =	vst v0  }
0x27: {  	[tilespmem:s20+$0xFFFFFFD0] =	vst v0  }
0x28: {  	v5 =	vld [tilespmem:s19+$0x30]  }
0x29: {  	v6 =	vld [tilespmem:s19+$0xFFFFFFD0]  }
0x2a: {  	v7 =	vld [tilespmem:s19+$0xFFFFFFE0]  }
0x2b: {  	v8 =	vld [tilespmem:s19+$0xFFFFFFF0];
	_ =	sdelay $0x1  }
0x2c: {  	v9 =	vld [tilespmem:s19+$0x0];
	v5 =	vshra.s32 v5, $0x13  }
0x2d: {  	v10 =	vld [tilespmem:s19+$0x10];
	v6 =	vshra.s32 v6, $0x13;
	v5 =	vand.u32 $0xFFFFFFF0, v5  }
0x2e: {  	v11 =	vld [tilespmem:s19+$0x20];
	v7 =	vshra.s32 v7, $0x13;
	v6 =	vand.u32 $0xFFFFFFF0, v6;
	v12 =	vadd.s32 v2, v5  }
0x2f: {  	v13 =	vld [tilespmem:s19+$0xFFFFFFC0];
	v6 =	vadd.s32 v2, v6;
	v5 =	vand.u32 $0xFFFFFFF0, v7;
	v7 =	vshra.s32 v8, $0x13  }
0x30: {  	v8 =	vadd.s32 v2, v5;
	v5 =	vand.u32 $0xFFFFFFF0, v7  }
0x31: {  	v7 =	vshra.s32 v9, $0x13;
	v9 =	vadd.s32 v2, v5;
	_ =	sdelay $0x1  }
0x32: {  	v5 =	vand.u32 $0xFFFFFFF0, v7;
	v7 =	vshra.s32 v10, $0x13;
	v10 =	vshra.s32 v11, $0x13;
	[tilespmem:v12+s10+$0x0] =	vst.idx.add.s32.msk $0xffff, v3  }
0x33: {  	v11 =	vshra.s32 v13, $0x13;
	v5 =	vadd.s32 v2, v5;
	v7 =	vand.u32 $0xFFFFFFF0, v7;
	[tilespmem:v6+s10+$0x0] =	vst.idx.add.s32.msk $0xffff, v3  }
0x34: {  	v6 =	vadd.s32 v2, v7;
	v7 =	vand.u32 $0xFFFFFFF0, v10;
	v10 =	vand.u32 $0xFFFFFFF0, v11;
	[tilespmem:v8+s10+$0x0] =	vst.idx.add.s32.msk $0xffff, v3  }
0x35: {  	s21 =	simm.s32 $0x200;
	s20 =	simm.s32 $0xC0;
	s19 =	simm.s32 $0x0;
	v7 =	vadd.s32 v2, v7;
	v8 =	vadd.s32 v2, v10;
	[tilespmem:v9+s10+$0x0] =	vst.idx.add.s32.msk $0xffff, v3  }
.LBB2_5:
0x36: {  	v9 =	vld [tilespmem:s20+$0x30];
	s19 =	sadd.s32 $0x8, s19  }
0x37: {  	v10 =	vld [tilespmem:s20+$0xFFFFFFD0];
	p0 =	slt.u32 s19, $0x7F8  }
0x38: {  	v11 =	vld [tilespmem:s20+$0xFFFFFFE0]  }
0x39: {  	v12 =	vld [tilespmem:s20+$0xFFFFFFF0]  }
0x3a: {  	v13 =	vld [tilespmem:s20+$0x0]  }
0x3b: {  	v14 =	vld [tilespmem:s20+$0x10];
	v9 =	vshra.s32 v9, $0x13  }
0x3c: {  	v10 =	vshra.s32 v10, $0x13;
	v15 =	vld [tilespmem:s20+$0x20];
	v9 =	vand.u32 $0xFFFFFFF0, v9  }
0x3d: {  	v16 =	vld [tilespmem:s20+$0xFFFFFFC0];
	v10 =	vand.u32 $0xFFFFFFF0, v10;
	v11 =	vshra.s32 v11, $0x13;
	v9 =	vadd.s32 v2, v9  }
0x3e: {  	v10 =	vadd.s32 v2, v10;
	v11 =	vand.u32 $0xFFFFFFF0, v11;
	v12 =	vshra.s32 v12, $0x13;
	[tilespmem:v8+s10+$0x0] =	vst.idx.add.s32.msk $0xffff, v3  }
0x3f: {  	v11 =	vadd.s32 v2, v11;
	v8 =	vand.u32 $0xFFFFFFF0, v12;
	v12 =	vshra.s32 v13, $0x13;
	[tilespmem:v5+s10+$0x0] =	vst.idx.add.s32.msk $0xffff, v3  }
0x40: {  	v13 =	vadd.s32 v2, v8;
	v5 =	vand.u32 $0xFFFFFFF0, v12;
	v8 =	vshra.s32 v14, $0x13;
	[tilespmem:v6+s10+$0x0] =	vst.idx.add.s32.msk $0xffff, v3  }
.Ltmp3:
0x41: {  	v5 =	vadd.s32 v2, v5;
	v6 =	vand.u32 $0xFFFFFFF0, v8;
	v8 =	vshra.s32 v15, $0x13;
	[tilespmem:v7+s10+$0x0] =	vst.idx.add.s32.msk $0xffff, v3;
	(pc) =	sbr.rel @p0 .LBB2_5-.Ltmp3, $4  }
0x42: {  	s23 =	simm.s32 $0x0;
	v7 =	vshra.s32 v16, $0x13;
	v6 =	vadd.s32 v2, v6;
	v8 =	vand.u32 $0xFFFFFFF0, v8;
	[tilespmem:v9+s10+$0x0] =	vst.idx.add.s32.msk $0xffff, v3  }
0x43: {  	v9 =	vand.u32 $0xFFFFFFF0, v7;
	[tilespmem:v10+s10+$0x0] =	vst.idx.add.s32.msk $0xffff, v3;
	v7 =	vadd.s32 v2, v8  }
0x44: {  	v8 =	vadd.s32 v2, v9;
	[tilespmem:v11+s10+$0x0] =	vst.idx.add.s32.msk $0xffff, v3  }
0x45: {  	s20 =	sadd.s32 $0x80, s20;
	[tilespmem:v13+s10+$0x0] =	vst.idx.add.s32.msk $0xffff, v3  }
0x46: {  	_ =	sdelay $0x3  }
0x47: {  	[tilespmem:v8+s10+$0x0] =	vst.idx.add.s32.msk $0xffff, v3  }
0x48: {  	[tilespmem:v5+s10+$0x0] =	vst.idx.add.s32.msk $0xffff, v3  }
0x49: {  	[tilespmem:v6+s10+$0x0] =	vst.idx.add.s32.msk $0xffff, v3  }
0x4a: {  	[tilespmem:v7+s10+$0x0] =	vst.idx.add.s32.msk $0xffff, v3;
	s19 =	simm.s32 $0x0  }
.LBB2_7:
0x4b: {  	s20 =	sshra.s32 s19, $0x2  }
0x4c: {  	v5 =	vld [tilespmem:s20+$0x9FF0];
	_ =	sdelay $0x4  }
0x4d: {  	(xrf0) =	vadd.scan.msk.s32 $0xffff, v5;
	_ =	sdelay $0x5  }
0x4e: {  	v5, _, _ =	vpop (xrf0)  }
0x4f: {  	(v2sf) =	vpush v5, $0xF;
	_ =	sdelay $0xe  }
0x50: {  	s22 =	spop (v2sf)  }
0x51: {  	s20 =	smov.u32 s23;
	s23 =	sadd.s32 s23, s22  }
0x52: {  	p0 =	slt.s32 s23, $0x40  }
.Ltmp4:
0x53: {  	_ = 	snop;
	(pc) =	sbr.rel @p0 .LBB2_7-.Ltmp4, $3  }
0x54: {  	_ =	sdelay $0x1  }
0x55: {  	s21 =	sadd.s32 $0xFFFFFFFF, s21  }
0x56: {  	s19 =	sadd.s32 $0xFFFFFFC0, s19;
	s24 =	simm.s32 $0xFFFFFFF8;
	s22 =	simm.s32 $0xA040  }
0x57: {  	[tilespmem:s22+$0xFFFFFFC0] =	vst v0  }
0x58: {  	[tilespmem:s22+$0x30] =	vst v0  }
0x59: {  	[tilespmem:s22+$0x20] =	vst v0  }
0x5a: {  	[tilespmem:s22+$0x10] =	vst v0  }
0x5b: {  	[tilespmem:s22+$0x0] =	vst v0  }
0x5c: {  	[tilespmem:s22+$0xFFFFFFF0] =	vst v0  }
0x5d: {  	s23 =	sadd.s32 $0x8, s24;
	[tilespmem:s22+$0xFFFFFFE0] =	vst v0  }
.LBB2_9:
0x5e: {  	s23 =	sadd.s32 $0x8, s23;
	[tilespmem:s22+$0xFFFFFFD0] =	vst v0;
	s22 =	sadd.s32 $0x80, s22  }
0x5f: {  	[tilespmem:s22+$0xFFFFFFC0] =	vst v0;
	p0 =	slt.u32 s23, $0x38  }
0x60: {  	[tilespmem:s22+$0x30] =	vst v0  }
.Ltmp5:
0x61: {  	[tilespmem:s22+$0x20] =	vst v0;
	(pc) =	sbr.rel @p0 .LBB2_9-.Ltmp5, $4  }
0x62: {  	[tilespmem:s22+$0x10] =	vst v0  }
0x63: {  	[tilespmem:s22+$0x0] =	vst v0  }
0x64: {  	[tilespmem:s22+$0xFFFFFFF0] =	vst v0  }
0x65: {  	[tilespmem:s22+$0xFFFFFFE0] =	vst v0  }
0x66: {  	[tilespmem:s22+$0xFFFFFFD0] =	vst v0;
	s31 =	simm.s32 $0x40  }
0x67: {  	v6 =	vld [tilespmem:s31+$0x30]  }
0x68: {  	v7 =	vld [tilespmem:s31+$0xFFFFFFD0]  }
0x69: {  	v8 =	vld [tilespmem:s31+$0xFFFFFFE0]  }
0x6a: {  	v9 =	vld [tilespmem:s31+$0xFFFFFFF0]  }
0x6b: {  	v10 =	vld [tilespmem:s31+$0x0]  }
0x6c: {  	v11 =	vld [tilespmem:s31+$0x10]  }
0x6d: {  	v5 =	vmov s21;
	v14 =	vld [tilespmem:s31+$0x20];
	v12 =	vshra.s32 v6, $0x17  }
0x6e: {  	v15 =	vld [tilespmem:s31+$0xFFFFFFC0];
	v13 =	vshra.s32 v7, $0x17;
	v6 =	vshrl.u32 v6, $0xD;
	v16 =	vshra.s32 v8, $0x17  }
0x6f: {  	v17 =	vshrl.u32 v7, $0xD;
	v19 =	vshra.s32 v9, $0x17;
	v21 =	vshrl.u32 v8, $0xD  }
0x70: {  	v22 =	vshrl.u32 v9, $0xD;
	v23 =	vshra.s32 v10, $0x17;
	v12 =	vadd.s32 $0x100, v12  }
0x71: {  	v7 =	vshrl.u32 v11, $0xD;
	v6 =	vand.u32 $0x3F0, v6;
	vm0 =	veq.s32 v12, v5  }
0x72: {  	v24 =	vshra.s32 v14, $0x17;
	v8 =	vshrl.u32 v14, $0xD;
	v20 =	vor.u32 v1, v6  }
0x73: {  	v14 =	vshrl.u32 v15, $0xD;
	v9 =	vadd.s32 $0x100, v13;
	v13 =	vadd.s32 $0x100, v19  }
0x74: {  	v19 =	vand.u32 $0x3F0, v17;
	v17 =	vand.u32 $0x3F0, v21;
	v6 =	vshrl.u32 v10, $0xD  }
0x75: {  	v10 =	vshra.s32 v11, $0x17;
	v11 =	vshra.s32 v15, $0x17;
	v12 =	vadd.s32 $0x100, v16  }
0x76: {  	v15 =	vand.u32 $0x3F0, v14;
	v16 =	vand.u32 $0x3F0, v22;
	v18 =	vadd.s32 $0x100, v11  }
0x77: {  	s21 =	simm.s32 $0x0;
	s22 =	simm.s32 $0xC0;
	v11 =	vadd.s32 $0x100, v23;
	v14 =	vadd.s32 $0x100, v10;
	v10 =	vadd.s32 $0x100, v24;
	[tilespmem:v20+s11+$0x0] =	vst.idx.add.s32.msk vm0, v3  }
.LBB2_11:
0x78: {  	v20 =	vld [tilespmem:s22+$0x30];
	s21 =	sadd.s32 $0x8, s21;
	v6 =	vand.u32 $0x3F0, v6;
	v7 =	vand.u32 $0x3F0, v7;
	v8 =	vand.u32 $0x3F0, v8  }
0x79: {  	vm6 =	veq.s32 v18, v5;
	vm5 =	veq.s32 v9, v5;
	vm4 =	veq.s32 v12, v5;
	v21 =	vld [tilespmem:s22+$0xFFFFFFD0];
	p0 =	slt.u32 s21, $0x7F8  }
0x7a: {  	vm3 =	veq.s32 v13, v5;
	vm2 =	veq.s32 v11, v5;
	vm1 =	veq.s32 v14, v5;
	v9 =	vld [tilespmem:s22+$0xFFFFFFE0]  }
0x7b: {  	v12 =	vor.u32 v1, v15;
	v13 =	vor.u32 v1, v19;
	vm0 =	veq.s32 v10, v5;
	v11 =	vld [tilespmem:s22+$0xFFFFFFF0]  }
0x7c: {  	v14 =	vor.u32 v1, v17;
	v15 =	vor.u32 v1, v16;
	v16 =	vor.u32 v1, v6;
	v10 =	vld [tilespmem:s22+$0x0]  }
0x7d: {  	v19 =	vor.u32 v1, v7;
	v22 =	vor.u32 v1, v8;
	v17 =	vld [tilespmem:s22+$0x10];
	v6 =	vshra.s32 v20, $0x17  }
0x7e: {  	v7 =	vshrl.u32 v20, $0xD;
	v8 =	vshra.s32 v21, $0x17;
	v18 =	vld [tilespmem:s22+$0x20];
	v6 =	vadd.s32 $0x100, v6  }
0x7f: {  	v20 =	vld [tilespmem:s22+$0xFFFFFFC0];
	v23 =	vshra.s32 v9, $0x17;
	vm7 =	veq.s32 v6, v5;
	v6 =	vand.u32 $0x3F0, v7  }
0x80: {  	v21 =	vshrl.u32 v21, $0xD;
	v24 =	vshra.s32 v11, $0x17;
	v25 =	vor.u32 v1, v6;
	[tilespmem:v12+s11+$0x0] =	vst.idx.add.s32.msk vm6, v3  }
0x81: {  	v26 =	vshrl.u32 v9, $0xD;
	v27 =	vshrl.u32 v11, $0xD;
	v11 =	vshra.s32 v10, $0x17;
	[tilespmem:v13+s11+$0x0] =	vst.idx.add.s32.msk vm5, v3  }
0x82: {  	v6 =	vshrl.u32 v10, $0xD;
	v10 =	vshra.s32 v17, $0x17;
	v7 =	vshrl.u32 v17, $0xD;
	[tilespmem:v14+s11+$0x0] =	vst.idx.add.s32.msk vm4, v3  }
.Ltmp6:
0x83: {  	v9 =	vadd.s32 $0x100, v8;
	v17 =	vshra.s32 v18, $0x17;
	v8 =	vshrl.u32 v18, $0xD;
	[tilespmem:v15+s11+$0x0] =	vst.idx.add.s32.msk vm3, v3;
	(pc) =	sbr.rel @p0 .LBB2_11-.Ltmp6, $4  }
0x84: {  	v12 =	vadd.s32 $0x100, v23;
	v13 =	vshra.s32 v20, $0x17;
	v14 =	vshrl.u32 v20, $0xD;
	[tilespmem:v16+s11+$0x0] =	vst.idx.add.s32.msk vm2, v3  }
0x85: {  	v11 =	vadd.s32 $0x100, v11;
	v18 =	vadd.s32 $0x100, v13;
	v13 =	vadd.s32 $0x100, v24;
	[tilespmem:v25+s11+$0x0] =	vst.idx.add.s32.msk vm7, v3  }
0x86: {  	v15 =	vand.u32 $0x3F0, v14;
	v14 =	vadd.s32 $0x100, v10;
	v10 =	vadd.s32 $0x100, v17;
	[tilespmem:v19+s11+$0x0] =	vst.idx.add.s32.msk vm1, v3  }
0x87: {  	s22 =	sadd.s32 $0x80, s22;
	v16 =	vand.u32 $0x3F0, v27;
	v17 =	vand.u32 $0x3F0, v26;
	v19 =	vand.u32 $0x3F0, v21;
	[tilespmem:v22+s11+$0x0] =	vst.idx.add.s32.msk vm0, v3  }
0x88: {  	vm0 =	veq.s32 v18, v5  }
0x89: {  	vm1 =	veq.s32 v9, v5;
	v60 =	vor.u32 v1, v15  }
0x8a: {  	vm2 =	veq.s32 v12, v5;
	v61 =	vor.u32 v1, v19  }
0x8b: {  	vm3 =	veq.s32 v13, v5;
	v62 =	vor.u32 v1, v17  }
0x8c: {  	v6 =	vand.u32 $0x3F0, v6;
	vm4 =	veq.s32 v11, v5;
	v63 =	vor.u32 v1, v16  }
0x8d: {  	v7 =	vand.u32 $0x3F0, v7;
	vm5 =	veq.s32 v14, v5;
	v6 =	vor.u32 v1, v6  }
0x8e: {  	v8 =	vand.u32 $0x3F0, v8;
	vm6 =	veq.s32 v10, v5;
	s20 =	ssub.s32 $0x40, s20;
	v5 =	vor.u32 v1, v7;
	[tilespmem:v60+s11+$0x0] =	vst.idx.add.s32.msk vm0, v3  }
0x8f: {  	v7 =	vor.u32 v1, v8;
	p0 =	sgt.s32 s20, $0x0;
	[tilespmem:v61+s11+$0x0] =	vst.idx.add.s32.msk vm1, v3  }
.Ltmp7:
0x90: {  	[tilespmem:v62+s11+$0x0] =	vst.idx.add.s32.msk vm2, v3;
	(pc) =	sbr.rel @!p0 .LBB2_14-.Ltmp7, $4  }
0x91: {  	[tilespmem:v63+s11+$0x0] =	vst.idx.add.s32.msk vm3, v3  }
0x92: {  	[tilespmem:v6+s11+$0x0] =	vst.idx.add.s32.msk vm4, v3  }
0x93: {  	s21 =	simm.s32 $0x0;
	[tilespmem:v5+s11+$0x0] =	vst.idx.add.s32.msk vm5, v3  }
0x94: {  	s23 =	simm.s32 $0x40;
	s24 =	simm.s32 $0xA3F0;
	s22 =	simm.s32 $0x40;
	[tilespmem:v7+s11+$0x0] =	vst.idx.add.s32.msk vm6, v3  }
.LBB2_13:
0x95: {  	v5 =	vld [tilespmem:s24+$0x0];
	_ =	sdelay $0x4  }
0x96: {  	(xrf0) =	vadd.scan.msk.s32 $0xffff, v5;
	_ =	sdelay $0x5  }
0x97: {  	v5, _, _ =	vpop (xrf0)  }
0x98: {  	(v2sf) =	vpush v5, $0xF;
	_ =	sdelay $0xe  }
0x99: {  	s25 =	spop (v2sf)  }
0x9a: {  	s21 =	sadd.s32 s21, s25  }
0x9b: {  	p0 =	slt.s32 s21, s20  }
.Ltmp8:
0x9c: {  	_ = 	snop;
	(pc) =	sbr.rel @p0 .LBB2_13-.Ltmp8, $2  }
0x9d: {  	_ =	sdelay $0x2  }
0x9e: {  	s22 =	sadd.s32 $0xFFFFFFFF, s22;
	s24 =	sadd.s32 $0xFFFFFFF0, s24  }
.LBB2_14:
0x9f: {  	v20 =	vld [tilespmem:s23+$0x30]  }
0xa0: {  	v21 =	vld [tilespmem:s23+$0x20]  }
0xa1: {  	v22 =	vld [tilespmem:s23+$0x10]  }
0xa2: {  	v24 =	vld [tilespmem:s23+$0x0]  }
0xa3: {  	v25 =	vld [tilespmem:s23+$0xFFFFFFF0]  }
0xa4: {  	v26 =	vld [tilespmem:s23+$0xFFFFFFE0]  }
0xa5: {  	v19 =	vld [tilespmem:s23+$0xFFFFFFD0]  }
0xa6: {  	v7 =	vld [tilespmem:s23+$0xFFFFFFC0]  }
0xa7: {  	s19 =	sadd.s32 s19, s22;
	v6 =	vimm.s32 $0x0;
	s30 =	simm.s32 $0x0  }
0xa8: {  	s19 =	sadd.s32 $0x8000, s19;
	v11 =	vadd.s32 v4, v6;
	v27 =	vor.u32 s30, v1  }
0xa9: {  	v5 =	vmov s19;
	v8 =	vshra.s32 v20, $0x11;
	v9 =	vshra.s32 v24, $0x11  }
0xaa: {  	v10 =	vshra.s32 v22, $0x11;
	v12 =	vshra.s32 v21, $0x11;
	v13 =	vshra.s32 v19, $0x11  }
0xab: {  	v14 =	vshra.s32 v26, $0x11;
	v15 =	vshra.s32 v25, $0x11;
	v16 =	vshra.s32 v7, $0x11  }
0xac: {  	v12 =	vadd.s32 $0x4000, v12;
	v16 =	vadd.s32 $0x4000, v16;
	v9 =	vadd.s32 $0x4000, v9  }
0xad: {  	v10 =	vadd.s32 $0x4000, v10;
	v13 =	vadd.s32 $0x4000, v13;
	v15 =	vadd.s32 $0x4000, v15  }
0xae: {  	v8 =	vadd.s32 $0x4000, v8;
	vm1 =	veq.s32 v16, v5;
	vm6 =	veq.s32 v13, v5  }
0xaf: {  	v13 =	vadd.s32 $0x4000, v14;
	vm0 =	veq.s32 v15, v5;
	vm2 =	veq.s32 v9, v5  }
0xb0: {  	vm3 =	veq.s32 v10, v5;
	vm4 =	veq.s32 v12, v5;
	v16 =	vsel vm1, $0x1, v0  }
0xb1: {  	s29 =	simm.s32 $0xC0;
	vm5 =	veq.s32 v13, v5;
	v16 =	vadd.s32 v16, v6;
	v6 =	vsel vm6, $0x1, v0  }
0xb2: {  	s28 =	sshll.u32 s22, $0x6;
	v10 =	vld [tilespmem:s29+$0x20];
	vm8 =	veq.s32 v8, v5;
	v14 =	vadd.s32 v6, v16;
	v6 =	vsel vm5, $0x1, v0  }
0xb3: {  	s22 =	sshra.s32 s28, $0x2;
	v8 =	vld [tilespmem:s29+$0x10];
	v9 =	vsel vm2, $0x1, v0;
	v15 =	vadd.s32 v6, v14;
	v6 =	vsel vm0, $0x1, v0  }
0xb4: {  	v13 =	vld [tilespmem:s22+$0xA000];
	v12 =	vsel vm4, $0x1, v0;
	vm7 =	vmmov vm5;
	v17 =	vadd.s32 v6, v15  }
0xb5: {  	v31 =	vadd.s32 v4, v14;
	v6 =	vld [tilespmem:s29+$0x30];
	v18 =	vadd.s32 v9, v17;
	v9 =	vsel vm3, $0x1, v0;
	[tilespmem:v11+s12+$0x0] =	vst.idx.msk vm1, v7  }
0xb6: {  	v33 =	vadd.s32 v4, v17;
	v17 =	vld [tilespmem:s29+$0xFFFFFFC0];
	v9 =	vadd.s32 v9, v18;
	v29 =	vadd.s32 v4, v18  }
0xb7: {  	s26 =	simm.s32 $0x20;
	v7 =	vsel vm8, $0x1, v0;
	[tilespmem:v11+s13+$0x0] =	vst.idx.msk vm1, v27;
	v11 =	vld [tilespmem:s29+$0xFFFFFFD0];
	v23 =	vadd.s32 v4, v9;
	v12 =	vadd.s32 v12, v9  }
0xb8: {  	v34 =	vor.u32 s26, v1;
	s30 =	simm.s32 $0x50;
	v28 =	vadd.s32 v4, v12;
	v30 =	vadd.s32 v7, v12;
	v7 =	vld [tilespmem:s29+$0xFFFFFFF0]  }
0xb9: {  	s24 =	simm.s32 $0x80;
	v36 =	vor.u32 s30, v1;
	v32 =	vadd.s32 v4, v15;
	v15 =	vadd.s32 v4, v16;
	v12 =	vld [tilespmem:s29+$0xFFFFFFE0]  }
0xba: {  	s31 =	simm.s32 $0x70;
	s25 =	simm.s32 $0x10;
	v16 =	vor.u32 s24, v1;
	v60 =	vshra.s32 v8, $0x11;
	v38 =	vshra.s32 v10, $0x11;
	v9 =	vld [tilespmem:s29+$0x0];
	[tilespmem:v31+s12+$0x0] =	vst.idx.msk vm7, v26  }
0xbb: {  	vm1 =	vmmov vm6;
	v27 =	vor.u32 s31, v1;
	v18 =	vor.u32 s25, v1;
	s31 =	simm.s32 $0x60;
	s29 =	simm.s32 $0x40;
	[tilespmem:v29+s12+$0x0] =	vst.idx.msk vm3, v22  }
0xbc: {  	s28 =	simm.s32 $0x30;
	v37 =	vor.u32 s31, v1;
	v14 =	vadd.s32 v4, v30;
	v35 =	vor.u32 s29, v1;
	[tilespmem:v23+s12+$0x0] =	vst.idx.msk vm4, v21  }
0xbd: {  	v41 =	vshra.s32 v17, $0x11;
	v61 =	vshra.s32 v11, $0x11;
	v21 =	vor.u32 s28, v1;
	[tilespmem:v28+s12+$0x0] =	vst.idx.msk vm8, v20  }
0xbe: {  	v20 =	vshra.s32 v6, $0x11;
	[tilespmem:v23+s13+$0x0] =	vst.idx.msk vm4, v37;
	v39 =	vshra.s32 v12, $0x11;
	v40 =	vshra.s32 v7, $0x11  }
0xbf: {  	v23 =	vadd.s32 $0x4000, v38;
	[tilespmem:v28+s13+$0x0] =	vst.idx.msk vm8, v27;
	v27 =	vshra.s32 v9, $0x11;
	v22 =	vadd.s32 $0x4000, v20  }
0xc0: {  	[tilespmem:v33+s12+$0x0] =	vst.idx.msk vm2, v24;
	v20 =	vadd.s32 $0x4000, v41;
	v28 =	vadd.s32 $0x4000, v60;
	v24 =	vadd.s32 $0x4000, v40  }
0xc1: {  	[tilespmem:v32+s12+$0x0] =	vst.idx.msk vm0, v25;
	v63 =	vadd.s32 $0x4000, v39;
	vm6 =	veq.s32 v20, v5;
	v20 =	vadd.s32 $0x4000, v61  }
0xc2: {  	[tilespmem:v31+s13+$0x0] =	vst.idx.msk vm7, v34;
	v27 =	vadd.s32 $0x4000, v27;
	v62 =	vsel vm6, $0x1, v0;
	vm4 =	veq.s32 v20, v5  }
0xc3: {  	[tilespmem:v33+s13+$0x0] =	vst.idx.msk vm2, v35;
	vm5 =	veq.s32 v63, v5;
	v20 =	vadd.s32 v62, v30;
	v25 =	vsel vm4, $0x1, v0  }
0xc4: {  	[tilespmem:v32+s13+$0x0] =	vst.idx.msk vm0, v21;
	vm0 =	veq.s32 v24, v5;
	v21 =	vadd.s32 v25, v20;
	v25 =	vsel vm5, $0x1, v0  }
0xc5: {  	s23 =	simm.s32 $0x8;
	[tilespmem:v29+s13+$0x0] =	vst.idx.msk vm3, v36;
	vm2 =	veq.s32 v27, v5;
	v24 =	vadd.s32 v25, v21;
	v25 =	vsel vm0, $0x1, v0  }
0xc6: {  	s22 =	simm.s32 $0xF0;
	s24 =	simm.s32 $0xF0;
	s25 =	simm.s32 $0x140;
	[tilespmem:v15+s12+$0x0] =	vst.idx.msk vm1, v19;
	vm3 =	veq.s32 v28, v5;
	v26 =	vsel vm2, $0x1, v0;
	v25 =	vadd.s32 v25, v24  }
.LBB2_15:
0xc7: {  	v19 =	vld [tilespmem:s25+$0x30];
	v26 =	vadd.s32 v26, v25;
	v27 =	vsel vm3, $0x1, v0;
	vm8 =	veq.s32 v23, v5;
	[tilespmem:v15+s13+$0x0] =	vst.idx.msk vm1, v18  }
0xc8: {  	vm9 =	veq.s32 v22, v5;
	v23 =	vld [tilespmem:s25+$0x20];
	[tilespmem:v14+s12+$0x0] =	vst.idx.msk vm6, v17;
	v15 =	vadd.s32 v27, v26;
	v17 =	vsel vm8, $0x1, v0  }
0xc9: {  	s23 =	sadd.s32 $0x8, s23;
	v22 =	vld [tilespmem:s25+$0x10];
	[tilespmem:v14+s13+$0x0] =	vst.idx.msk vm6, v16;
	v27 =	vadd.s32 v4, v15;
	v14 =	vadd.s32 v17, v15;
	v15 =	vsel vm9, $0x1, v0  }
0xca: {  	v31 =	vmovc v12;
	p0 =	slt.u32 s23, $0x7F8;
	v26 =	vadd.s32 v4, v26;
	v28 =	vld [tilespmem:s25+$0x0];
	v29 =	vadd.s32 v4, v14;
	v30 =	vadd.s32 v15, v14  }
0xcb: {  	v33 =	vadd.s32 v4, v21;
	v21 =	vadd.s32 v4, v24;
	v24 =	vadd.s32 v4, v25;
	v34 =	vmovc v11;
	v32 =	vld [tilespmem:s25+$0xFFFFFFF0]  }
0xcc: {  	s24 =	sadd.s32 $0x80, s24;
	vm1 =	vmmov vm4;
	v15 =	vadd.s32 v4, v20;
	v14 =	vadd.s32 v4, v30;
	v12 =	vld [tilespmem:s25+$0xFFFFFFE0]  }
0xcd: {  	s28 =	sadd.s32 $0xFFFFFFA0, s22;
	vm7 =	vmmov vm5;
	s26 =	sadd.s32 $0xFFFFFF90, s24;
	v20 =	vor.u32 s22, v1;
	v11 =	vld [tilespmem:s25+$0xFFFFFFD0]  }
0xce: {  	s29 =	sadd.s32 $0xFFFFFFD0, s22;
	v18 =	vor.u32 s28, v1;
	s28 =	sadd.s32 $0xFFFFFFC0, s22;
	v16 =	vor.u32 s26, v1;
	s26 =	sadd.s32 $0xFFFFFFB0, s22;
	v17 =	vld [tilespmem:s25+$0xFFFFFFC0];
	[tilespmem:v27+s12+$0x0] =	vst.idx.msk vm8, v10;
	v10 =	vmov v23  }
0xcf: {  	v36 =	vor.u32 s29, v1;
	v35 =	vor.u32 s28, v1;
	s28 =	sadd.s32 $0xFFFFFFF0, s22;
	v25 =	vor.u32 s26, v1;
	s26 =	sadd.s32 $0xFFFFFFE0, s22;
	s22 =	smov.u32 s24;
	[tilespmem:v29+s12+$0x0] =	vst.idx.msk vm9, v6;
	v6 =	vmovc v19  }
0xd0: {  	v37 =	vor.u32 s26, v1;
	v23 =	vor.u32 s28, v1;
	v19 =	vshra.s32 v6, $0x11;
	[tilespmem:v29+s13+$0x0] =	vst.idx.msk vm9, v20  }
0xd1: {  	v38 =	vshra.s32 v10, $0x11;
	v20 =	vshra.s32 v28, $0x11;
	v29 =	vshra.s32 v22, $0x11;
	[tilespmem:v27+s13+$0x0] =	vst.idx.msk vm8, v23  }
0xd2: {  	v40 =	vshra.s32 v32, $0x11;
	v39 =	vshra.s32 v12, $0x11;
	v27 =	vshra.s32 v11, $0x11;
	[tilespmem:v26+s12+$0x0] =	vst.idx.msk vm3, v8;
	v8 =	vmovc v22  }
0xd3: {  	v23 =	vadd.s32 $0x4000, v38;
	v22 =	vadd.s32 $0x4000, v19;
	v41 =	vshra.s32 v17, $0x11;
	[tilespmem:v26+s13+$0x0] =	vst.idx.msk vm3, v37  }
0xd4: {  	v29 =	vadd.s32 $0x4000, v29;
	v26 =	vadd.s32 $0x4000, v20;
	v19 =	vadd.s32 $0x4000, v41;
	[tilespmem:v24+s12+$0x0] =	vst.idx.msk vm2, v9;
	v9 =	vmovc v28  }
0xd5: {  	vm6 =	veq.s32 v19, v5;
	v19 =	vadd.s32 $0x4000, v27;
	v27 =	vadd.s32 $0x4000, v40;
	[tilespmem:v24+s13+$0x0] =	vst.idx.msk vm2, v36  }
.Ltmp9:
0xd6: {  	v20 =	vsel vm6, $0x1, v0;
	vm4 =	veq.s32 v19, v5;
	v19 =	vadd.s32 $0x4000, v39;
	[tilespmem:v21+s12+$0x0] =	vst.idx.msk vm0, v7;
	v7 =	vmovc v32;
	(pc) =	sbr.rel @p0 .LBB2_15-.Ltmp9, $4  }
0xd7: {  	v20 =	vadd.s32 v20, v30;
	v24 =	vsel vm4, $0x1, v0;
	vm5 =	veq.s32 v19, v5;
	[tilespmem:v21+s13+$0x0] =	vst.idx.msk vm0, v35  }
0xd8: {  	vm0 =	veq.s32 v27, v5;
	v21 =	vadd.s32 v24, v20;
	v19 =	vsel vm5, $0x1, v0;
	[tilespmem:v33+s12+$0x0] =	vst.idx.msk vm7, v31  }
0xd9: {  	vm2 =	veq.s32 v26, v5;
	v24 =	vadd.s32 v19, v21;
	v19 =	vsel vm0, $0x1, v0;
	[tilespmem:v33+s13+$0x0] =	vst.idx.msk vm7, v25  }
0xda: {  	s25 =	sadd.s32 $0x80, s25;
	vm3 =	veq.s32 v29, v5;
	v26 =	vsel vm2, $0x1, v0;
	v25 =	vadd.s32 v19, v24;
	[tilespmem:v15+s12+$0x0] =	vst.idx.msk vm1, v34  }
0xdb: {  	v19 =	vadd.s32 v26, v25;
	v50 =	vsel vm3, $0x1, v0;
	vm7 =	veq.s32 v23, v5  }
0xdc: {  	vm8 =	veq.s32 v22, v5;
	v51 =	vadd.s32 v50, v19;
	v52 =	vsel vm7, $0x1, v0  }
0xdd: {  	v5 =	vsel vm8, $0x1, v0;
	v53 =	vadd.s32 v52, v51  }
0xde: {  	v5 =	vadd.s32 v5, v53  }
0xdf: {  	(xrf0) =	vadd.scan.msk.s32 $0xffff, v13;
	v54 =	vxor.u32 $0x80000000, v5  }
0xe0: {  	(xrf0) =	vmax.scan.msk.u32 $0xffff, v54;
	_ =	sdelay $0x4  }
0xe1: {  	v55, _, _ =	vpop (xrf0)  }
0xe2: {  	v59 =	vadd.s32 v4, v25;
	(v2sf) =	vpush v55, $0xF;
	v56, _, _ =	vpop (xrf0)  }
0xe3: {  	v61 =	vadd.s32 v4, v24;
	(v2sf) =	vpush v56, $0xF  }
0xe4: {  	[tilespmem:v15+s13+$0x0] =	vst.idx.msk vm1, v18;
	v62 =	vadd.s32 v4, v21  }
0xe5: {  	[tilespmem:v14+s12+$0x0] =	vst.idx.msk vm6, v17;
	v63 =	vadd.s32 v4, v20  }
0xe6: {  	[tilespmem:v14+s13+$0x0] =	vst.idx.msk vm6, v16;
	v58 =	vadd.s32 v4, v19  }
0xe7: {  	v23 =	vadd.s32 v4, v51;
	[tilespmem:v59+s12+$0x0] =	vst.idx.msk vm2, v9  }
0xe8: {  	v57 =	vadd.s32 v4, v53;
	[tilespmem:v61+s12+$0x0] =	vst.idx.msk vm0, v7  }
0xe9: {  	[tilespmem:v62+s12+$0x0] =	vst.idx.msk vm5, v12  }
0xea: {  	[tilespmem:v63+s12+$0x0] =	vst.idx.msk vm4, v11  }
0xeb: {  	[tilespmem:v58+s12+$0x0] =	vst.idx.msk vm3, v8  }
0xec: {  	[tilespmem:v23+s12+$0x0] =	vst.idx.msk vm7, v10  }
0xed: {  	v60 =	vor.u32 s22, v1;
	s23 =	sadd.s32 $0xFFFFFFF0, s22;
	[tilespmem:v57+s12+$0x0] =	vst.idx.msk vm8, v6  }
0xee: {  	s25 =	sadd.s32 $0xFFFFFFE0, s22;
	v6 =	vor.u32 s23, v1;
	[tilespmem:v57+s13+$0x0] =	vst.idx.msk vm8, v60  }
0xef: {  	s26 =	sadd.s32 $0xFFFFFFD0, s22;
	[tilespmem:v23+s13+$0x0] =	vst.idx.msk vm7, v6;
	v6 =	vor.u32 s25, v1  }
.Ltmp10:
0xf0: {  	s28 =	sadd.s32 $0xFFFFFFC0, s22;
	[tilespmem:v58+s13+$0x0] =	vst.idx.msk vm3, v6;
	v6 =	vor.u32 s26, v1;
	(pc) =	sbr.rel .LBB2_17-.Ltmp10, $4  }
0xf1: {  	s29 =	sadd.s32 $0xFFFFFFB0, s22;
	[tilespmem:v59+s13+$0x0] =	vst.idx.msk vm2, v6;
	v6 =	vor.u32 s28, v1;
	s24 =	spop (v2sf)  }
0xf2: {  	s30 =	sadd.s32 $0xFFFFFFA0, s22;
	[tilespmem:v61+s13+$0x0] =	vst.idx.msk vm0, v6;
	v6 =	vor.u32 s29, v1;
	s21 =	ssub.s32 s24, s21;
	s31 =	spop (v2sf)  }
0xf3: {  	[tilespmem:v62+s13+$0x0] =	vst.idx.msk vm5, v6;
	v6 =	vor.u32 s30, v1;
	s21 =	sadd.s32 s20, s21;
	s20 =	sxor.u32 $0x80000000, s31  }
0xf4: {  	vm14 =	vmmov vm5;
	vm15 =	vmmov vm4;
	s23 =	simm.s32 $0x0;
	[tilespmem:v63+s13+$0x0] =	vst.idx.msk vm4, v6;
	s24 =	simm.s32 $0x0;
	p0 =	slt.s32 s20, $0x1  }
.LBB2_18:
0xf5: {  	v6 =	vimm.s32 $0x0  }
.LBB2_28:
0xf6: {  	(xrf0) =	vadd.scan.msk.s32 $0xffff, v6;
	_ =	sdelay $0x5  }
0xf7: {  	v6, _, _ =	vpop (xrf0)  }
0xf8: {  	(v2sf) =	vpush v6, $0xF;
	_ =	sdelay $0xe  }
0xf9: {  	s25 =	spop (v2sf)  }
0xfa: {  	s24 =	sadd.s32 $0x1, s24;
	p1 =	slt.s32 s25, s21  }
0xfb: {  	s22 =	smov.u32 @p1 s23;
	p1 =	sne.s32 s24, $0x11  }
.Ltmp11:
0xfc: {  	_ = 	snop;
	(pc) =	sbr.rel @!p1 .LBB2_29-.Ltmp11, $2  }
0xfd: {  	_ =	sdelay $0x2  }
0xfe: {  	s23 =	smov.u32 s22  }
.LBB2_17:
.Ltmp12:
0xff: {  	(pc) =	sbr.rel @p0 .LBB2_18-.Ltmp12, $3  }
0x100: {  	_ =	sdelay $0x1  }
0x101: {  	s22 =	sshrl.u32 s14, s24  }
0x102: {  	s22 =	sor.u32 s22, s23  }
0x103: {  	p3 =	sne.s32 s20, $0x1  }
.Ltmp13:
0x104: {  	_ = 	snop;
	(pc) =	sbr.rel @!p3 .LBB2_20-.Ltmp13, $3  }
0x105: {  	_ =	sdelay $0x1  }
0x106: {  	s28 =	simm.s32 $0x0  }
0x107: {  	v7 =	vmov s22;
	v6 =	vimm.s32 $0x0;
	s25 =	simm.s32 $0x1;
	p1 =	por $0x0, $0x0;
	p2 =	por $0x0, $0x0;
	v8 =	vadd.s32 s28, v4  }
0x108: {  	p3 =	sne.s32 s20, $0x2  }
.Ltmp14:
0x109: {  	_ = 	snop;
	(pc) =	sbr.rel @!p3 .LBB2_22-.Ltmp14, $2  }
0x10a: {  	_ =	sdelay $0x2  }
0x10b: {  	v10 =	vld.idx.msk [tilespmem:v8+s12+$0x0], $0xffff;
	s26 =	simm.s32 $0x2;
	v8 =	vadd.s32 s25, v4;
	p1 =	por $0x1, $0x1  }
0x10c: {  	_ =	sdelay $0x1  }
0x10d: {  	p3 =	sne.s32 s20, $0x3  }
.Ltmp15:
0x10e: {  	_ = 	snop;
	(pc) =	sbr.rel @!p3 .LBB2_24-.Ltmp15, $4  }
0x10f: {  	v9 =	vmov s28;
	v10 =	vand.u32 $0x1FFFF, v10  }
0x110: {  	vm1 =	vlt.s32 v9, v5;
	vm0 =	vge.s32 v10, v7  }
0x111: {  	v10 =	vld.idx.msk [tilespmem:v8+s12+$0x0], $0xffff;
	v8 =	vadd.s32 s26, v4;
	vm0 =	vmand vm1, vm0  }
0x112: {  	s28 =	simm.s32 $0x3;
	p2 =	por $0x1, $0x1;
	v9 =	vimm.s32 $0x0;
	v11 =	vsel vm0, $0x1, v0  }
.LBB2_25:
0x113: {  	s29 =	smov.u32 s28;
	s28 =	sadd.s32 $0x1, s28  }
0x114: {  	v9 =	vadd.s32 v11, v9;
	p3 =	sne.s32 s20, s28  }
.Ltmp16:
0x115: {  	(pc) =	sbr.rel @p3 .LBB2_25-.Ltmp16, $4  }
0x116: {  	v11 =	vmov s25;
	s25 =	smov.u32 s26;
	v12 =	vand.u32 $0x1FFFF, v10;
	s26 =	smov.u32 s29;
	v10 =	vld.idx.msk [tilespmem:v8+s12+$0x0], $0xffff  }
0x117: {  	vm1 =	vlt.s32 v11, v5;
	v8 =	vadd.s32 s26, v4;
	vm0 =	vge.s32 v12, v7  }
0x118: {  	vm0 =	vmand vm1, vm0  }
0x119: {  	v11 =	vsel vm0, $0x1, v0  }
0x11a: {  	s28 =	smov.u32 s26  }
.LBB2_27:
0x11b: {  	_ =	sdelay $0x3  }
0x11c: {  	v8 =	vld.idx.msk [tilespmem:v8+s12+$0x0], $0xffff;
	_ =	sdelay $0x1  }
0x11d: {  	v12 =	vmov @p1 s25;
	v10 =	vand.u32 @p1 $0x1FFFF, v10  }
0x11e: {  	vm0 =	vge.s32 @p1 v10, v7;
	vm1 =	vlt.s32 @p1 v12, v5  }
0x11f: {  	v9 =	vadd.s32 @p2 v11, v9;
	v63 =	vmov s28;
	vm0 =	vmand @p1 vm1, vm0  }
.Ltmp17:
0x120: {  	v9 =	vpsel p2, v9, v6;
	v10 =	vsel @p1 vm0, $0x1, v0;
	v8 =	vand.u32 $0x1FFFF, v8;
	(pc) =	sbr.rel .LBB2_28-.Ltmp17, $4  }
0x121: {  	vm15 =	vlt.s32 v63, v5;
	v10 =	vpsel p1, v10, v0;
	vm14 =	vge.s32 v8, v7  }
0x122: {  	v7 =	vadd.s32 @p1 v10, v9;
	vm0 =	vmand vm15, vm14  }
0x123: {  	v6 =	vpsel p1, v7, v6;
	v8 =	vsel vm0, $0x1, v0  }
0x124: {  	v6 =	vadd.s32 v8, v6  }
.LBB2_20:
.Ltmp18:
0x125: {  	(pc) =	sbr.rel .LBB2_27-.Ltmp18, $2  }
0x126: {  	_ =	sdelay $0x2  }
0x127: {  	v9 =	vimm.s32 $0x0  }
.LBB2_22:
.Ltmp19:
0x128: {  	(pc) =	sbr.rel .LBB2_27-.Ltmp19, $2  }
0x129: {  	_ =	sdelay $0x2  }
0x12a: {  	v9 =	vimm.s32 $0x0;
	s25 =	simm.s32 $0x0;
	s28 =	simm.s32 $0x1  }
.LBB2_24:
.Ltmp20:
0x12b: {  	(pc) =	sbr.rel .LBB2_27-.Ltmp20, $2  }
0x12c: {  	_ =	sdelay $0x2  }
0x12d: {  	v9 =	vimm.s32 $0x0;
	s28 =	simm.s32 $0x2  }
.LBB2_29:
.Ltmp21:
0x12e: {  	(pc) =	sbr.rel @p0 .LBB2_30-.Ltmp21, $1  }
0x12f: {  	_ =	sdelay $0x3  }
0x130: {  	p3 =	sne.s32 s20, $0x1  }
.Ltmp22:
0x131: {  	_ = 	snop;
	(pc) =	sbr.rel @!p3 .LBB2_32-.Ltmp22, $3  }
0x132: {  	_ =	sdelay $0x1  }
0x133: {  	s23 =	sadd.s32 $0x1, s22;
	s25 =	simm.s32 $0x0  }
0x134: {  	v6 =	vimm.s32 $0x0;
	p1 =	por $0x0, $0x0;
	p2 =	por $0x0, $0x0;
	v7 =	vmov s23;
	s23 =	simm.s32 $0x1;
	v8 =	vadd.s32 s25, v4  }
0x135: {  	p3 =	sne.s32 s20, $0x2  }
.Ltmp23:
0x136: {  	_ = 	snop;
	(pc) =	sbr.rel @!p3 .LBB2_34-.Ltmp23, $2  }
0x137: {  	_ =	sdelay $0x2  }
0x138: {  	v10 =	vld.idx.msk [tilespmem:v8+s12+$0x0], $0xffff;
	s24 =	simm.s32 $0x2;
	v8 =	vadd.s32 s23, v4;
	p1 =	por $0x1, $0x1  }
0x139: {  	_ =	sdelay $0x1  }
0x13a: {  	p3 =	sne.s32 s20, $0x3  }
.Ltmp24:
0x13b: {  	_ = 	snop;
	(pc) =	sbr.rel @!p3 .LBB2_36-.Ltmp24, $4  }
0x13c: {  	v9 =	vmov s25;
	v10 =	vand.u32 $0x1FFFF, v10  }
0x13d: {  	vm1 =	vlt.s32 v9, v5;
	vm0 =	vge.s32 v10, v7  }
0x13e: {  	v10 =	vld.idx.msk [tilespmem:v8+s12+$0x0], $0xffff;
	v8 =	vadd.s32 s24, v4;
	vm0 =	vmand vm1, vm0  }
0x13f: {  	s25 =	simm.s32 $0x3;
	p2 =	por $0x1, $0x1;
	v9 =	vimm.s32 $0x0;
	v11 =	vsel vm0, $0x1, v0  }
.LBB2_37:
0x140: {  	s26 =	smov.u32 s25;
	s25 =	sadd.s32 $0x1, s25  }
0x141: {  	v9 =	vadd.s32 v11, v9;
	p3 =	sne.s32 s20, s25  }
.Ltmp25:
0x142: {  	(pc) =	sbr.rel @p3 .LBB2_37-.Ltmp25, $4  }
0x143: {  	v11 =	vmov s23;
	s23 =	smov.u32 s24;
	v12 =	vand.u32 $0x1FFFF, v10;
	s24 =	smov.u32 s26;
	v10 =	vld.idx.msk [tilespmem:v8+s12+$0x0], $0xffff  }
0x144: {  	vm1 =	vlt.s32 v11, v5;
	v8 =	vadd.s32 s24, v4;
	vm0 =	vge.s32 v12, v7  }
0x145: {  	vm0 =	vmand vm1, vm0  }
0x146: {  	v11 =	vsel vm0, $0x1, v0  }
0x147: {  	s25 =	smov.u32 s24  }
.LBB2_39:
0x148: {  	_ =	sdelay $0x3  }
0x149: {  	v8 =	vld.idx.msk [tilespmem:v8+s12+$0x0], $0xffff;
	_ =	sdelay $0x1  }
0x14a: {  	v12 =	vmov @p1 s23;
	v10 =	vand.u32 @p1 $0x1FFFF, v10  }
0x14b: {  	vm0 =	vge.s32 @p1 v10, v7;
	vm1 =	vlt.s32 @p1 v12, v5  }
0x14c: {  	v9 =	vadd.s32 @p2 v11, v9;
	v63 =	vmov s25;
	vm0 =	vmand @p1 vm1, vm0  }
.Ltmp26:
0x14d: {  	v9 =	vpsel p2, v9, v6;
	v10 =	vsel @p1 vm0, $0x1, v0;
	v8 =	vand.u32 $0x1FFFF, v8;
	(pc) =	sbr.rel .LBB2_40-.Ltmp26, $4  }
0x14e: {  	vm15 =	vlt.s32 v63, v5;
	v10 =	vpsel p1, v10, v0;
	vm14 =	vge.s32 v8, v7  }
0x14f: {  	v7 =	vadd.s32 @p1 v10, v9;
	vm0 =	vmand vm15, vm14  }
0x150: {  	v6 =	vpsel p1, v7, v6;
	v8 =	vsel vm0, $0x1, v0  }
0x151: {  	v6 =	vadd.s32 v8, v6  }
.LBB2_30:
0x152: {  	v6 =	vimm.s32 $0x0  }
.LBB2_40:
0x153: {  	(xrf0) =	vadd.scan.msk.s32 $0xffff, v6;
	_ =	sdelay $0x5  }
0x154: {  	v6, _, _ =	vpop (xrf0)  }
0x155: {  	(v2sf) =	vpush v6, $0xF;
	_ =	sdelay $0xb  }
.Ltmp27:
0x156: {  	_ = 	snop;
	(pc) =	sbr.rel .LBB2_41-.Ltmp27, $4  }
0x157: {  	s19 =	sshll.u32 s19, $0x11  }
0x158: {  	s19 =	sxor.u32 $0x80000000, s19  }
0x159: {  	s22 =	sor.u32 s19, s22;
	s23 =	spop (v2sf)  }
0x15a: {  	v6 =	vmov s22;
	s22 =	simm.s32 $0x0;
	s19 =	ssub.s32 s21, s23;
	s21 =	simm.s32 $0x0  }
.LBB2_42:
0x15b: {  	v7 =	vimm.s32 $0x0  }
.LBB2_52:
0x15c: {  	(xrf0) =	vadd.scan.msk.s32 $0xffff, v7;
	_ =	sdelay $0x5  }
0x15d: {  	v7, _, _ =	vpop (xrf0)  }
0x15e: {  	(v2sf) =	vpush v7, $0xF;
	_ =	sdelay $0xa  }
0x15f: {  	s22 =	sadd.s32 $0x1, s22  }
0x160: {  	p2 =	seq.s32 s22, $0xF  }
.Ltmp28:
0x161: {  	_ = 	snop;
	(pc) =	sbr.rel @p2 .LBB2_53-.Ltmp28, $4  }
0x162: {  	_ = 	snop  }
0x163: {  	s24 =	spop (v2sf)  }
0x164: {  	p1 =	slt.s32 s24, s19  }
0x165: {  	s21 =	smov.u32 @p1 s23  }
.LBB2_41:
.Ltmp29:
0x166: {  	(pc) =	sbr.rel @p0 .LBB2_42-.Ltmp29, $3  }
0x167: {  	_ =	sdelay $0x1  }
0x168: {  	s23 =	sshrl.u32 s15, s22  }
0x169: {  	s23 =	sor.u32 s23, s21  }
0x16a: {  	p3 =	sne.s32 s20, $0x1  }
.Ltmp30:
0x16b: {  	_ = 	snop;
	(pc) =	sbr.rel @!p3 .LBB2_44-.Ltmp30, $3  }
0x16c: {  	_ =	sdelay $0x1  }
0x16d: {  	s26 =	simm.s32 $0x0  }
0x16e: {  	v8 =	vmov s23;
	v7 =	vimm.s32 $0x0;
	s24 =	simm.s32 $0x1;
	p1 =	por $0x0, $0x0;
	p2 =	por $0x0, $0x0;
	v11 =	vadd.s32 s26, v4  }
0x16f: {  	p3 =	sne.s32 s20, $0x2  }
.Ltmp31:
0x170: {  	_ = 	snop;
	(pc) =	sbr.rel @!p3 .LBB2_46-.Ltmp31, $3  }
0x171: {  	_ =	sdelay $0x1  }
0x172: {  	v10 =	vld.idx.msk [tilespmem:v11+s13+$0x0], $0xffff  }
0x173: {  	s25 =	simm.s32 $0x2;
	v14 =	vadd.s32 s24, v4;
	v11 =	vld.idx.msk [tilespmem:v11+s12+$0x0], $0xffff;
	p1 =	por $0x1, $0x1  }
0x174: {  	_ = 	snop  }
0x175: {  	p3 =	sne.s32 s20, $0x3  }
.Ltmp32:
0x176: {  	v9 =	vmov s26;
	(pc) =	sbr.rel @!p3 .LBB2_48-.Ltmp32, $4  }
0x177: {  	vm1 =	vlt.s32 v9, v5;
	vm0 =	vlt.s32 v10, v8  }
0x178: {  	vm2 =	veq.s32 v11, v6;
	vm0 =	vmand vm0, vm1  }
0x179: {  	v13 =	vadd.s32 s25, v4;
	v10 =	vld.idx.msk [tilespmem:v14+s13+$0x0], $0xffff;
	vm0 =	vmand vm0, vm2  }
0x17a: {  	s26 =	simm.s32 $0x3;
	p2 =	por $0x1, $0x1;
	v9 =	vimm.s32 $0x0;
	v11 =	vld.idx.msk [tilespmem:v14+s12+$0x0], $0xffff;
	v12 =	vsel vm0, $0x1, v0  }
.LBB2_49:
0x17b: {  	s28 =	smov.u32 s26;
	s26 =	sadd.s32 $0x1, s26  }
0x17c: {  	v9 =	vadd.s32 v12, v9;
	p3 =	sne.s32 s20, s26  }
.Ltmp33:
0x17d: {  	v12 =	vmov s24;
	s24 =	smov.u32 s25;
	(pc) =	sbr.rel @p3 .LBB2_49-.Ltmp33, $4  }
0x17e: {  	vm0 =	vlt.s32 v10, v8;
	vm1 =	vlt.s32 v12, v5;
	s25 =	smov.u32 s28;
	v10 =	vld.idx.msk [tilespmem:v13+s13+$0x0], $0xffff  }
0x17f: {  	vm2 =	veq.s32 v11, v6;
	vm0 =	vmand vm0, vm1;
	v11 =	vld.idx.msk [tilespmem:v13+s12+$0x0], $0xffff;
	v13 =	vadd.s32 s25, v4  }
0x180: {  	vm0 =	vmand vm0, vm2  }
0x181: {  	v12 =	vsel vm0, $0x1, v0  }
0x182: {  	s26 =	smov.u32 s24;
	s24 =	smov.u32 s25;
	v14 =	vmov v13  }
.LBB2_51:
0x183: {  	_ =	sdelay $0x3  }
0x184: {  	v15 =	vld.idx.msk [tilespmem:v14+s13+$0x0], $0xffff  }
0x185: {  	v13 =	vmov @p1 s26;
	v61 =	vld.idx.msk [tilespmem:v14+s12+$0x0], $0xffff  }
0x186: {  	vm0 =	vlt.s32 @p1 v10, v8;
	vm1 =	vlt.s32 @p1 v13, v5  }
0x187: {  	v9 =	vadd.s32 @p2 v12, v9;
	vm0 =	vmand @p1 vm0, vm1;
	vm1 =	veq.s32 @p1 v11, v6  }
0x188: {  	v62 =	vmov s24;
	v9 =	vpsel p2, v9, v7;
	vm0 =	vmand @p1 vm0, vm1  }
.Ltmp34:
0x189: {  	vm15 =	vlt.s32 v62, v5;
	v11 =	vsel @p1 vm0, $0x1, v0;
	vm14 =	vlt.s32 v15, v8;
	(pc) =	sbr.rel .LBB2_52-.Ltmp34, $4  }
0x18a: {  	v8 =	vpsel p1, v11, v0;
	vm2 =	veq.s32 v61, v6;
	vm0 =	vmand vm14, vm15  }
0x18b: {  	v8 =	vadd.s32 @p1 v8, v9;
	vm0 =	vmand vm0, vm2  }
0x18c: {  	v7 =	vpsel p1, v8, v7;
	v63 =	vsel vm0, $0x1, v0  }
0x18d: {  	v7 =	vadd.s32 v63, v7  }
.LBB2_44:
.Ltmp35:
0x18e: {  	(pc) =	sbr.rel .LBB2_51-.Ltmp35, $2  }
0x18f: {  	_ =	sdelay $0x2  }
0x190: {  	v9 =	vimm.s32 $0x0;
	s24 =	simm.s32 $0x0;
	v14 =	vmov v11  }
.LBB2_46:
.Ltmp36:
0x191: {  	(pc) =	sbr.rel .LBB2_51-.Ltmp36, $2  }
0x192: {  	_ =	sdelay $0x2  }
0x193: {  	v9 =	vimm.s32 $0x0  }
.LBB2_48:
.Ltmp37:
0x194: {  	(pc) =	sbr.rel .LBB2_51-.Ltmp37, $2  }
0x195: {  	_ =	sdelay $0x2  }
0x196: {  	v9 =	vimm.s32 $0x0;
	s26 =	simm.s32 $0x1;
	s24 =	simm.s32 $0x2;
	v14 =	vmov v13  }
.LBB2_53:
0x197: {  	s28 =	simm.s32 $0x40  }
0x198: {  	v7 =	vld [tilespmem:s28+$0x30]  }
0x199: {  	v9 =	vld [tilespmem:s28+$0xFFFFFFD0]  }
0x19a: {  	s20 =	simm.s32 $0x70;
	v11 =	vld [tilespmem:s28+$0xFFFFFFF0]  }
0x19b: {  	v5 =	vmov s21;
	s22 =	simm.s32 $0x10;
	s23 =	simm.s32 $0x20;
	s29 =	simm.s32 $0x30;
	v12 =	vor.u32 s20, v1;
	v14 =	vld [tilespmem:s28+$0x0]  }
0x19c: {  	s30 =	simm.s32 $0x40;
	s25 =	simm.s32 $0x50;
	s31 =	simm.s32 $0x60;
	v13 =	vor.u32 s22, v1;
	v63 =	vor.u32 s23, v1;
	v15 =	vld [tilespmem:s28+$0x10];
	v16 =	vor.u32 s29, v1  }
0x19d: {  	v17 =	vld [tilespmem:s28+$0x20];
	v18 =	vor.u32 s30, v1;
	v19 =	vor.u32 s25, v1;
	v21 =	vor.u32 s31, v1  }
0x19e: {  	vm1 =	vle.s32 v12, v5;
	vm5 =	vle.s32 v13, v5;
	vm8 =	vle.s32 v63, v5  }
0x19f: {  	s24 =	simm.s32 $0x0;
	v8 =	vld [tilespmem:s28+$0xFFFFFFC0];
	vm9 =	vle.s32 v16, v5;
	vm11 =	vle.s32 v19, v5;
	vm13 =	vle.s32 v21, v5  }
0x1a0: {  	v10 =	vld [tilespmem:s28+$0xFFFFFFE0];
	vm0 =	veq.s32 v7, v6;
	vm2 =	vgt.s32 v7, v6;
	v7 =	vor.u32 s24, v1  }
0x1a1: {  	vm3 =	veq.s32 v11, v6;
	vm6 =	veq.s32 v14, v6;
	vm7 =	veq.s32 v15, v6  }
0x1a2: {  	vm10 =	veq.s32 v17, v6;
	vm0 =	vmand vm1, vm0;
	vm1 =	veq.s32 v9, v6  }
0x1a3: {  	vm4 =	vle.s32 v7, v5;
	vm3 =	vmand vm9, vm3;
	vm0 =	vmor vm2, vm0  }
0x1a4: {  	vm9 =	vgt.s32 v9, v6;
	v20 =	vsel vm0, $0x3F800000, v0;
	vm0 =	veq.s32 v8, v6  }
0x1a5: {  	vm2 =	veq.s32 v10, v6;
	vm5 =	vmand vm5, vm1;
	vm12 =	vmand vm4, vm0  }
0x1a6: {  	vm0 =	vle.s32 v18, v5;
	vm4 =	vmand vm8, vm2;
	vm2 =	vmand vm13, vm10  }
0x1a7: {  	vm10 =	vgt.s32 v11, v6;
	vm8 =	vgt.s32 v15, v6;
	vm1 =	vmand vm0, vm6  }
0x1a8: {  	s19 =	simm.s32 $0xA440;
	vm0 =	vmand vm11, vm7;
	vm7 =	vgt.s32 v8, v6;
	vm11 =	vgt.s32 v10, v6  }
0x1a9: {  	s21 =	simm.s32 $0xA440;
	s22 =	simm.s32 $0x0;
	s23 =	simm.s32 $0xC0;
	[tilespmem:s19+$0x30] =	vst v20;
	vm6 =	vgt.s32 v14, v6;
	vm12 =	vmor vm7, vm12;
	vm7 =	vgt.s32 v17, v6  }
.LBB2_54:
0x1aa: {  	v7 =	vld [tilespmem:s23+$0x30];
	s22 =	sadd.s32 $0x8, s22;
	vm5 =	vmor vm9, vm5;
	vm4 =	vmor vm11, vm4;
	vm3 =	vmor vm10, vm3  }
0x1ab: {  	vm1 =	vmor vm6, vm1;
	vm0 =	vmor vm8, vm0;
	vm2 =	vmor vm7, vm2;
	v8 =	vld [tilespmem:s23+$0xFFFFFFC0];
	p0 =	slt.u32 s22, $0x7F8  }
0x1ac: {  	v10 =	vsel vm12, $0x3F800000, v0;
	v11 =	vsel vm5, $0x3F800000, v0;
	v12 =	vsel vm4, $0x3F800000, v0;
	v9 =	vld [tilespmem:s23+$0xFFFFFFD0]  }
0x1ad: {  	s20 =	sadd.s32 $0x80, s20;
	v14 =	vsel vm1, $0x3F800000, v0;
	v15 =	vsel vm0, $0x3F800000, v0;
	v13 =	vld [tilespmem:s23+$0xFFFFFFE0];
	[tilespmem:s19+$0xFFFFFFC0] =	vst v10;
	v10 =	vsel vm3, $0x3F800000, v0  }
0x1ae: {  	s24 =	sadd.s32 $0xFFFFFFA0, s20;
	s25 =	sadd.s32 $0xFFFFFFB0, s20;
	s26 =	sadd.s32 $0xFFFFFFC0, s20;
	v17 =	vor.u32 s20, v1;
	v16 =	vld [tilespmem:s23+$0xFFFFFFF0];
	[tilespmem:s19+$0xFFFFFFD0] =	vst v11;
	v11 =	vsel vm2, $0x3F800000, v0  }
0x1af: {  	s28 =	sadd.s32 $0xFFFFFFE0, s20;
	s29 =	sadd.s32 $0xFFFFFFF0, s20;
	v18 =	vor.u32 s24, v1;
	s24 =	sadd.s32 $0xFFFFFFD0, s20;
	vm1 =	vle.s32 v17, v5;
	v19 =	vld [tilespmem:s23+$0x0];
	vm0 =	veq.s32 v7, v6;
	[tilespmem:s19+$0xFFFFFFE0] =	vst v12  }
0x1b0: {  	s30 =	sadd.s32 $0xFFFFFF90, s20;
	v12 =	vor.u32 s25, v1;
	vm2 =	vgt.s32 v7, v6;
	v17 =	vld [tilespmem:s23+$0x10];
	vm0 =	vmand vm1, vm0;
	[tilespmem:s19+$0xFFFFFFF0] =	vst v10  }
0x1b1: {  	v7 =	vor.u32 s30, v1;
	v10 =	vor.u32 s26, v1;
	v20 =	vld [tilespmem:s23+$0x20];
	vm0 =	vmor vm2, vm0;
	[tilespmem:s19+$0x0] =	vst v14  }
0x1b2: {  	v21 =	vor.u32 s28, v1;
	v14 =	vor.u32 s24, v1;
	s19 =	sadd.s32 $0x80, s19;
	v22 =	vsel vm0, $0x3F800000, v0;
	[tilespmem:s21+$0x10] =	vst v15  }
0x1b3: {  	vm1 =	veq.s32 v9, v6;
	vm0 =	veq.s32 v8, v6;
	v15 =	vor.u32 s29, v1;
	[tilespmem:s19+$0x30] =	vst v22  }
0x1b4: {  	vm2 =	veq.s32 v13, v6;
	vm3 =	veq.s32 v16, v6;
	vm6 =	veq.s32 v19, v6;
	[tilespmem:s21+$0x20] =	vst v11;
	s21 =	smov.u32 s19  }
0x1b5: {  	vm5 =	vle.s32 v18, v5;
	vm4 =	vle.s32 v7, v5;
	vm7 =	veq.s32 v17, v6  }
0x1b6: {  	vm8 =	vle.s32 v12, v5;
	vm9 =	vle.s32 v10, v5;
	vm10 =	veq.s32 v20, v6  }
0x1b7: {  	vm12 =	vle.s32 v21, v5;
	vm11 =	vle.s32 v14, v5;
	vm13 =	vle.s32 v15, v5  }
.Ltmp38:
0x1b8: {  	vm5 =	vmand vm5, vm1;
	vm14 =	vmand vm4, vm0;
	vm4 =	vmand vm8, vm2;
	(pc) =	sbr.rel @p0 .LBB2_54-.Ltmp38, $4  }
0x1b9: {  	vm3 =	vmand vm9, vm3;
	vm1 =	vmand vm11, vm6;
	vm0 =	vmand vm12, vm7  }
0x1ba: {  	vm9 =	vgt.s32 v9, v6;
	vm7 =	vgt.s32 v8, v6;
	vm2 =	vmand vm13, vm10  }
0x1bb: {  	vm11 =	vgt.s32 v13, v6;
	vm6 =	vgt.s32 v19, v6;
	vm10 =	vgt.s32 v16, v6  }
0x1bc: {  	s23 =	sadd.s32 $0x80, s23;
	vm8 =	vgt.s32 v17, v6;
	vm12 =	vmor vm7, vm14;
	vm7 =	vgt.s32 v20, v6  }
0x1bd: {  	vm5 =	vmor vm9, vm5;
	v5 =	vsel vm12, $0x3F800000, v0  }
0x1be: {  	vm4 =	vmor vm11, vm4;
	v6 =	vsel vm5, $0x3F800000, v0;
	[tilespmem:s19+$0xFFFFFFC0] =	vst v5  }
0x1bf: {  	vm3 =	vmor vm10, vm3;
	v5 =	vsel vm4, $0x3F800000, v0;
	[tilespmem:s19+$0xFFFFFFD0] =	vst v6  }
0x1c0: {  	vm1 =	vmor vm6, vm1;
	v6 =	vsel vm3, $0x3F800000, v0;
	[tilespmem:s19+$0xFFFFFFE0] =	vst v5  }
0x1c1: {  	vm0 =	vmor vm8, vm0;
	v5 =	vsel vm1, $0x3F800000, v0;
	[tilespmem:s19+$0xFFFFFFF0] =	vst v6  }
0x1c2: {  	vm15 =	vmor vm7, vm2;
	v6 =	vsel vm0, $0x3F800000, v0;
	[tilespmem:s19+$0x0] =	vst v5  }
0x1c3: {  	s17 =	sadd.s32 $0x1, s17;
	v5 =	vsel vm15, $0x3F800000, v0;
	[tilespmem:s21+$0x10] =	vst v6  }
0x1c4: {  	s18 =	sadd.s32 s4, s18;
	p0 =	sne.s32 s17, $0x4;
	[tilespmem:s21+$0x20] =	vst v5  }
0x1c5: {  	[hbm4b:s18+s7] =	stream.strided.scatter [tilespmem:s12], [sflag:$0x1], $0x8000, s8, s7, $0x38;
	[tilespmem:$0x1A400] =	vst v63  }
.Ltmp39:
0x1c6: {  	_ = 	snop;
	(pc) =	sbr.rel @p0 .LBB2_2-.Ltmp39, $4  }
.Ltmp40:
0x1c7: {  	_ = 	snop;
	(pc) =	sbr.rel @!p0 .LBB2_56-.Ltmp40, $4  }
0x1c8: {  	_ =	swait.ge [sflag:s9], $0x8000  }
0x1c9: {  	[sflag:s9] =	ssyncset.done $0x0  }
0x1ca: {  	[sflag:s9] =	ssyncadd.s32 $0xFFFF8000  }
0x1cb: {  	_ = 	snop  }
.LBB2_32:
.Ltmp41:
0x1cc: {  	(pc) =	sbr.rel .LBB2_39-.Ltmp41, $2  }
0x1cd: {  	_ =	sdelay $0x2  }
0x1ce: {  	v9 =	vimm.s32 $0x0  }
.LBB2_34:
.Ltmp42:
0x1cf: {  	(pc) =	sbr.rel .LBB2_39-.Ltmp42, $2  }
0x1d0: {  	_ =	sdelay $0x2  }
0x1d1: {  	v9 =	vimm.s32 $0x0;
	s23 =	simm.s32 $0x0;
	s25 =	simm.s32 $0x1  }
.LBB2_36:
.Ltmp43:
0x1d2: {  	(pc) =	sbr.rel .LBB2_39-.Ltmp43, $2  }
0x1d3: {  	_ =	sdelay $0x2  }
0x1d4: {  	v9 =	vimm.s32 $0x0;
	s25 =	simm.s32 $0x2  }
.LBB2_57:
0x1d5: {  	_ =	sfence.sel $0x180000  }
0x1d6: {  	[bflag:$0x0] =	sbarrier.arrive $0xFFFF  }
0x1d7: {  	p0 =	sne.s32 s3, $0x0;
	_ =	strace $0x90000047  }
0x1d8: {  	s0 =	sadd.s32 @!p0 $0x100000, s0;
	[bflag:$0x2] =	sbarrier.arrive $0xFFFF  }
0x1d9: {  	[sflag:s0] =	ssyncadd.tile.s32 @!p0 $0x1;
	_ =	shalt  }
.Lfunc_end2:
_tile_overlayer_lowered:
.L_overlay_start_2:
0x1da: {  	(tag) =	ssettag $0x2  }
0x1db: {  	s0 =	rddreg [dreg:$0x0];
	s2 =	stileid.u32  }
0x1dc: {  	s1 =	rddreg [dreg:$0x1];
	p0 =	sne.s32 s2, $0x0  }
0x1dd: {  	s3 =	rddreg [dreg:$0x2];
	[bflag:$0x3] =	sbarrier.arrive $0xFFFF;
	s2 =	simm.s32 @!p0 $0x1C01  }
0x1de: {  	[timem:s3], [sflag:s2] =	dma.local @!p0 [hbm:s0], s1  }
0x1df: {  	s0 =	simm.s32 @!p0 $0x1  }
0x1e0: {  	_ =	swait.ge @!p0 [sflag:s0], s1  }
0x1e1: {  	s1 =	ssub.s32 @!p0 $0x0, s1;
	[sflag:s0] =	ssyncset.done @!p0 $0x0  }
0x1e2: {  	[sflag:s0] =	ssyncadd.s32 @!p0 s1  }
0x1e3: {  	[bflag:$0x3] =	sbarrier.arrive $0xFFFF  }
0x1e4: {  	_ =	shalt  }

</sc_bundles>
